<compile_context>
chip_gen: v7x
topology: tpu7x:2x2x1
jax: 0.10.2.dev20260603
libtpu: 0.0.44.dev20260713+nightly
codegen_flags: <defaults>
</compile_context>

<pallas_src>
import functools

import jax
import jax.numpy as jnp
from jax import lax
from jax.experimental import pallas as pl
from jax.experimental.pallas import tpu as pltpu
from jax.experimental.pallas import tpu_sc as plsc

_NUM_CORES = 2
_LANES = 16
_LANE_BLOCK = 128
_ROWS_PER_WORKER = 8


@functools.lru_cache(maxsize=None)
def _make_gather(B, V, D):
    n_active = B // _ROWS_PER_WORKER
    mesh = plsc.VectorSubcoreMesh(core_axis_name="c", subcore_axis_name="s")

    @functools.partial(
        pl.kernel,
        out_type=jax.ShapeDtypeStruct((B, D), jnp.float32),
        mesh=mesh,
        scratch_types=[
            pltpu.VMEM((_LANES,), jnp.int32),
            pltpu.VMEM((_ROWS_PER_WORKER, D, _LANE_BLOCK), jnp.float32),
            pltpu.VMEM((_ROWS_PER_WORKER, D), jnp.float32),
            pltpu.SemaphoreType.DMA,
        ],
        compiler_params=pltpu.CompilerParams(needs_layout_passes=False),
    )
    def gather(tablet_hbm, idx_hbm, out_hbm, idx_v, win_v, out_v, sem):
        wid = lax.axis_index("s") * _NUM_CORES + lax.axis_index("c")

        @pl.when(wid < n_active)
        def _():
            base = wid * _ROWS_PER_WORKER
            pltpu.sync_copy(idx_hbm.at[pl.ds(base, _ROWS_PER_WORKER)],
                            idx_v.at[pl.ds(0, _ROWS_PER_WORKER)])
            v = idx_v[...]
            blk = lax.bitwise_and(v, -_LANE_BLOCK)
            lane = lax.bitwise_and(v, _LANE_BLOCK - 1)
            copies = []
            for k in range(_ROWS_PER_WORKER):
                start = pl.multiple_of(blk[k], _LANE_BLOCK)
                copies.append(
                    pltpu.async_copy(
                        tablet_hbm.at[:, pl.ds(start, _LANE_BLOCK)],
                        win_v.at[k], sem))
            for c in copies:
                c.wait()
            for k in range(_ROWS_PER_WORKER):
                lane_k = jnp.broadcast_to(lane[k], (_LANES,))
                for b in range(D // _LANES):
                    rows = lax.iota(jnp.int32, _LANES) + (b * _LANES)
                    seg = plsc.load_gather(win_v.at[k], [rows, lane_k])
                    out_v[k, pl.ds(b * _LANES, _LANES)] = seg
            pltpu.sync_copy(out_v, out_hbm.at[pl.ds(base, _ROWS_PER_WORKER)])

    return gather


def kernel(layer_values, ordinals):
    V, D = layer_values.shape
    (B,) = ordinals.shape
    return _make_gather(B, V, D)(layer_values.T, ordinals.astype(jnp.int32))

# --- scband reference (transcript-rebuilt; emitter-appended) ---
"""Pipeline reference for scband-single-layer-gather-78572131713369 (READ-ONLY COPY).

The authoritative reference and input builder live on the scoring server;
editing this copy changes nothing except your own understanding.
"""

import jax, jax.numpy as jnp
import numpy as np

ORDINALS = np.array([0,781,1562,2343,3124,3905,4686,5467,6248,7029,7810,8591,9372,10153,10934,11715,12496,13277,14058,14839,15620,16401,17182,17963,18744,19525,20306,21087,21868,22649,23430,24211,24992,25773,26554,27335,28116,28897,29678,30459,31240,32021,32802,33583,34364,35145,35926,36707,37488,38269,39050,39831,40612,41393,42174,42955,43736,44517,45298,46079,46860,47641,48422,49203,49984,50765,51546,52327,53108,53889,54670,55451,56232,57013,57794,58575,59356,60137,60918,61699,62480,63261,64042,64823,65604,66385,67166,67947,68728,69509,70290,71071,71852,72633,73414,74195,74976,75757,76538,77319,78100,78881,79662,80443,81224,82005,82786,83567,84348,85129,85910,86691,87472,88253,89034,89815,90596,91377,92158,92939,93720,94501,95282,96063,96844,97625,98406,99187], dtype=np.int32)

def setup_inputs(seed: int = 0) -> dict:
    key = jax.random.key(seed)
    layer_values = jax.random.normal(key, (100000, 64), dtype=jnp.float32)
    ordinals = jnp.asarray(ORDINALS)
    return {"layer_values": layer_values, "ordinals": ordinals}

def reference(layer_values, ordinals):
    # torch.index_select(input, 0, ordinals) == row gather
    return jnp.take(layer_values, ordinals, axis=0)

if __name__ == "__main__":
    import jax
    _d = setup_inputs()
    print(jax.jit(kernel)(*tuple(_d.values())))

</pallas_src>

<mosaic_0001>
#map = affine_map<(d0, d1) -> (0, 0)>
#map1 = affine_map<(d0, d1) -> (0)>
module attributes {stable_mosaic.version = 14 : i64} {
  func.func @gather(%arg0: i32, %arg1: i32, %arg2: memref<64x100000xf32, #tpu.memory_space<hbm>>, %arg3: memref<128xi32, #tpu.memory_space<hbm>>, %arg4: memref<128x64xf32, #tpu.memory_space<hbm>>, %arg5: memref<16xi32, #tpu.memory_space<vmem>>, %arg6: memref<8x64x128xf32, #tpu.memory_space<vmem>>, %arg7: memref<8x64xf32, #tpu.memory_space<vmem>>, %arg8: memref<!tpu.dma_semaphore, #tpu.memory_space<semaphore_mem>>) attributes {dimension_semantics = [#tpu.dimension_semantics<core_parallel>, #tpu.dimension_semantics<subcore_parallel>], iteration_bounds = array<i64: 2, 16>, scalar_prefetch = 0 : i64, scratch_operands = 4 : i64, tpu.core_type = #tpu.core_type<sc_vector_subcore>, window_params = [{transform_indices = #map}, {transform_indices = #map1}, {transform_indices = #map}]} {
    %mul3A = arith.constant 2 : i32
    %mul3A_0 = arith.muli %arg1, %mul3A : i32
    %add3A = arith.addi %mul3A_0, %arg0 : i32
    %lt3A = arith.constant 16 : i32
    %lt3A_1 = arith.cmpi slt, %add3A, %lt3A : i32
    %convert_element_type3A = arith.extui %lt3A_1 : i1 to i32
    %cond3A = arith.constant 0 : i32
    %cond3A_2 = arith.cmpi ne, %convert_element_type3A, %cond3A : i32
    scf.if %cond3A_2 {
      %mul3A_3 = arith.constant 8 : i32
      %mul3A_4 = arith.muli %add3A, %mul3A_3 : i32
      "tpu.region"() ({
        %run_scoped3A = tpu.sem_alloc : memref<!tpu.dma_semaphore, #tpu.memory_space<semaphore_mem>>
        %dma_start3A_706 = arith.constant 0 : i32
        %dma_start3A_707 = tpu.memref_slice %arg5[%dma_start3A_706] : memref<16xi32, #tpu.memory_space<vmem>> -> memref<8xi32, #tpu.memory_space<vmem>>
        %dma_start3A_708 = tpu.memref_slice %arg3[%mul3A_4] : memref<128xi32, #tpu.memory_space<hbm>> -> memref<8xi32, #tpu.memory_space<hbm>>
        %dma_start3A_709 = arith.constant 0 : i32
        %dma_start3A_710 = tpu.memref_slice %arg5[%dma_start3A_709] : memref<16xi32, #tpu.memory_space<vmem>> -> memref<8xi32, #tpu.memory_space<vmem>>
        %dma_start3A_711 = tpu.memref_slice %arg3[%mul3A_4] : memref<128xi32, #tpu.memory_space<hbm>> -> memref<8xi32, #tpu.memory_space<hbm>>
        tpu.enqueue_dma source(%dma_start3A_711 : memref<8xi32, #tpu.memory_space<hbm>>) target(%dma_start3A_710 : memref<8xi32, #tpu.memory_space<vmem>>) target_semaphore(%run_scoped3A : memref<!tpu.dma_semaphore, #tpu.memory_space<semaphore_mem>>)
        %dma_wait3A_712 = arith.constant 0 : i32
        %dma_wait3A_713 = tpu.memref_slice %arg5[%dma_wait3A_712] : memref<16xi32, #tpu.memory_space<vmem>> -> memref<8xi32, #tpu.memory_space<vmem>>
        %dma_wait3A_714 = tpu.memref_slice %arg3[%mul3A_4] : memref<128xi32, #tpu.memory_space<hbm>> -> memref<8xi32, #tpu.memory_space<hbm>>
        %dma_wait3A_715 = arith.constant 0 : i32
        %dma_wait3A_716 = tpu.memref_slice %arg5[%dma_wait3A_715] : memref<16xi32, #tpu.memory_space<vmem>> -> memref<8xi32, #tpu.memory_space<vmem>>
        %dma_wait3A_717 = tpu.memref_slice %arg3[%mul3A_4] : memref<128xi32, #tpu.memory_space<hbm>> -> memref<8xi32, #tpu.memory_space<hbm>>
        tpu.wait_dma2 semaphore(%run_scoped3A : memref<!tpu.dma_semaphore, #tpu.memory_space<semaphore_mem>>) src(%dma_wait3A_717 : memref<8xi32, #tpu.memory_space<hbm>>) dst(%dma_wait3A_716 : memref<8xi32, #tpu.memory_space<vmem>>)
        tpu.yield
      }) : () -> ()
      %get3A = arith.constant 0 : index
      %get3A_5 = tpu.vector_load %arg5[%get3A] {strides = array<i32>} : memref<16xi32, #tpu.memory_space<vmem>>, vector<16xi32>,
      %and3A = arith.constant -128 : i32
      %and3A_6 = vector.broadcast %and3A : i32 to vector<16xi32>
      %and3A_7 = arith.andi %get3A_5, %and3A_6 : vector<16xi32>
      %and3A_8 = arith.constant 127 : i32
      %and3A_9 = vector.broadcast %and3A_8 : i32 to vector<16xi32>
      %and3A_10 = arith.andi %get3A_5, %and3A_9 : vector<16xi32>
      %slice3A = vector.extract_strided_slice %and3A_7 {offsets = [0], sizes = [1], strides = [1]} : vector<16xi32> to vector<1xi32>
      %squeeze3A = vector.extract %slice3A[0] : i32 from vector<1xi32>
      %multiple_of3A = tpu.assume_multiple %squeeze3A, 128 : i32
      %dma_start3A = arith.constant 0 : i32
      %dma_start3A_11 = arith.constant 0 : i32
      %dma_start3A_12 = arith.constant 0 : i32
      %dma_start3A_13 = tpu.memref_slice %arg6[%dma_start3A, %dma_start3A_11, %dma_start3A_12] : memref<8x64x128xf32, #tpu.memory_space<vmem>> -> memref<1x64x128xf32, #tpu.memory_space<vmem>>
      %dma_start3A_14 = tpu.memref_squeeze %dma_start3A_13 : memref<1x64x128xf32, #tpu.memory_space<vmem>> -> memref<64x128xf32, #tpu.memory_space<vmem>>
      %dma_start3A_15 = arith.constant 0 : i32
      %dma_start3A_16 = tpu.memref_slice %arg2[%dma_start3A_15, %multiple_of3A] : memref<64x100000xf32, #tpu.memory_space<hbm>> -> memref<64x128xf32, #tpu.memory_space<hbm>>
      %dma_start3A_17 = arith.constant 0 : i32
      %dma_start3A_18 = arith.constant 0 : i32
      %dma_start3A_19 = tpu.memref_slice %arg6[%dma_start3A, %dma_start3A_17, %dma_start3A_18] : memref<8x64x128xf32, #tpu.memory_space<vmem>> -> memref<1x64x128xf32, #tpu.memory_space<vmem>>
      %dma_start3A_20 = tpu.memref_squeeze %dma_start3A_19 : memref<1x64x128xf32, #tpu.memory_space<vmem>> -> memref<64x128xf32, #tpu.memory_space<vmem>>
      %dma_start3A_21 = arith.constant 0 : i32
      %dma_start3A_22 = tpu.memref_slice %arg2[%dma_start3A_21, %multiple_of3A] : memref<64x100000xf32, #tpu.memory_space<hbm>> -> memref<64x128xf32, #tpu.memory_space<hbm>>
      tpu.enqueue_dma source(%dma_start3A_22 : memref<64x128xf32, #tpu.memory_space<hbm>>) target(%dma_start3A_20 : memref<64x128xf32, #tpu.memory_space<vmem>>) target_semaphore(%arg8 : memref<!tpu.dma_semaphore, #tpu.memory_space<semaphore_mem>>)
      %slice3A_23 = vector.extract_strided_slice %and3A_7 {offsets = [1], sizes = [1], strides = [1]} : vector<16xi32> to vector<1xi32>
      %squeeze3A_24 = vector.extract %slice3A_23[0] : i32 from vector<1xi32>
      %multiple_of3A_25 = tpu.assume_multiple %squeeze3A_24, 128 : i32
      %dma_start3A_26 = arith.constant 1 : i32
      %dma_start3A_27 = arith.constant 0 : i32
      %dma_start3A_28 = arith.constant 0 : i32
      %dma_start3A_29 = tpu.memref_slice %arg6[%dma_start3A_26, %dma_start3A_27, %dma_start3A_28] : memref<8x64x128xf32, #tpu.memory_space<vmem>> -> memref<1x64x128xf32, #tpu.memory_space<vmem>>
      %dma_start3A_30 = tpu.memref_squeeze %dma_start3A_29 : memref<1x64x128xf32, #tpu.memory_space<vmem>> -> memref<64x128xf32, #tpu.memory_space<vmem>>
      %dma_start3A_31 = arith.constant 0 : i32
      %dma_start3A_32 = tpu.memref_slice %arg2[%dma_start3A_31, %multiple_of3A_25] : memref<64x100000xf32, #tpu.memory_space<hbm>> -> memref<64x128xf32, #tpu.memory_space<hbm>>
      %dma_start3A_33 = arith.constant 0 : i32
      %dma_start3A_34 = arith.constant 0 : i32
      %dma_start3A_35 = tpu.memref_slice %arg6[%dma_start3A_26, %dma_start3A_33, %dma_start3A_34] : memref<8x64x128xf32, #tpu.memory_space<vmem>> -> memref<1x64x128xf32, #tpu.memory_space<vmem>>
      %dma_start3A_36 = tpu.memref_squeeze %dma_start3A_35 : memref<1x64x128xf32, #tpu.memory_space<vmem>> -> memref<64x128xf32, #tpu.memory_space<vmem>>
      %dma_start3A_37 = arith.constant 0 : i32
      %dma_start3A_38 = tpu.memref_slice %arg2[%dma_start3A_37, %multiple_of3A_25] : memref<64x100000xf32, #tpu.memory_space<hbm>> -> memref<64x128xf32, #tpu.memory_space<hbm>>
      tpu.enqueue_dma source(%dma_start3A_38 : memref<64x128xf32, #tpu.memory_space<hbm>>) target(%dma_start3A_36 : memref<64x128xf32, #tpu.memory_space<vmem>>) target_semaphore(%arg8 : memref<!tpu.dma_semaphore, #tpu.memory_space<semaphore_mem>>)
      %slice3A_39 = vector.extract_strided_slice %and3A_7 {offsets = [2], sizes = [1], strides = [1]} : vector<16xi32> to vector<1xi32>
      %squeeze3A_40 = vector.extract %slice3A_39[0] : i32 from vector<1xi32>
      %multiple_of3A_41 = tpu.assume_multiple %squeeze3A_40, 128 : i32
      %dma_start3A_42 = arith.constant 2 : i32
      %dma_start3A_43 = arith.constant 0 : i32
      %dma_start3A_44 = arith.constant 0 : i32
      %dma_start3A_45 = tpu.memref_slice %arg6[%dma_start3A_42, %dma_start3A_43, %dma_start3A_44] : memref<8x64x128xf32, #tpu.memory_space<vmem>> -> memref<1x64x128xf32, #tpu.memory_space<vmem>>
      %dma_start3A_46 = tpu.memref_squeeze %dma_start3A_45 : memref<1x64x128xf32, #tpu.memory_space<vmem>> -> memref<64x128xf32, #tpu.memory_space<vmem>>
      %dma_start3A_47 = arith.constant 0 : i32
      %dma_start3A_48 = tpu.memref_slice %arg2[%dma_start3A_47, %multiple_of3A_41] : memref<64x100000xf32, #tpu.memory_space<hbm>> -> memref<64x128xf32, #tpu.memory_space<hbm>>
      %dma_start3A_49 = arith.constant 0 : i32
      %dma_start3A_50 = arith.constant 0 : i32
      %dma_start3A_51 = tpu.memref_slice %arg6[%dma_start3A_42, %dma_start3A_49, %dma_start3A_50] : memref<8x64x128xf32, #tpu.memory_space<vmem>> -> memref<1x64x128xf32, #tpu.memory_space<vmem>>
      %dma_start3A_52 = tpu.memref_squeeze %dma_start3A_51 : memref<1x64x128xf32, #tpu.memory_space<vmem>> -> memref<64x128xf32, #tpu.memory_space<vmem>>
      %dma_start3A_53 = arith.constant 0 : i32
      %dma_start3A_54 = tpu.memref_slice %arg2[%dma_start3A_53, %multiple_of3A_41] : memref<64x100000xf32, #tpu.memory_space<hbm>> -> memref<64x128xf32, #tpu.memory_space<hbm>>
      tpu.enqueue_dma source(%dma_start3A_54 : memref<64x128xf32, #tpu.memory_space<hbm>>) target(%dma_start3A_52 : memref<64x128xf32, #tpu.memory_space<vmem>>) target_semaphore(%arg8 : memref<!tpu.dma_semaphore, #tpu.memory_space<semaphore_mem>>)
      %slice3A_55 = vector.extract_strided_slice %and3A_7 {offsets = [3], sizes = [1], strides = [1]} : vector<16xi32> to vector<1xi32>
      %squeeze3A_56 = vector.extract %slice3A_55[0] : i32 from vector<1xi32>
      %multiple_of3A_57 = tpu.assume_multiple %squeeze3A_56, 128 : i32
      %dma_start3A_58 = arith.constant 3 : i32
      %dma_start3A_59 = arith.constant 0 : i32
      %dma_start3A_60 = arith.constant 0 : i32
      %dma_start3A_61 = tpu.memref_slice %arg6[%dma_start3A_58, %dma_start3A_59, %dma_start3A_60] : memref<8x64x128xf32, #tpu.memory_space<vmem>> -> memref<1x64x128xf32, #tpu.memory_space<vmem>>
      %dma_start3A_62 = tpu.memref_squeeze %dma_start3A_61 : memref<1x64x128xf32, #tpu.memory_space<vmem>> -> memref<64x128xf32, #tpu.memory_space<vmem>>
      %dma_start3A_63 = arith.constant 0 : i32
      %dma_start3A_64 = tpu.memref_slice %arg2[%dma_start3A_63, %multiple_of3A_57] : memref<64x100000xf32, #tpu.memory_space<hbm>> -> memref<64x128xf32, #tpu.memory_space<hbm>>
      %dma_start3A_65 = arith.constant 0 : i32
      %dma_start3A_66 = arith.constant 0 : i32
      %dma_start3A_67 = tpu.memref_slice %arg6[%dma_start3A_58, %dma_start3A_65, %dma_start3A_66] : memref<8x64x128xf32, #tpu.memory_space<vmem>> -> memref<1x64x128xf32, #tpu.memory_space<vmem>>
      %dma_start3A_68 = tpu.memref_squeeze %dma_start3A_67 : memref<1x64x128xf32, #tpu.memory_space<vmem>> -> memref<64x128xf32, #tpu.memory_space<vmem>>
      %dma_start3A_69 = arith.constant 0 : i32
      %dma_start3A_70 = tpu.memref_slice %arg2[%dma_start3A_69, %multiple_of3A_57] : memref<64x100000xf32, #tpu.memory_space<hbm>> -> memref<64x128xf32, #tpu.memory_space<hbm>>
      tpu.enqueue_dma source(%dma_start3A_70 : memref<64x128xf32, #tpu.memory_space<hbm>>) target(%dma_start3A_68 : memref<64x128xf32, #tpu.memory_space<vmem>>) target_semaphore(%arg8 : memref<!tpu.dma_semaphore, #tpu.memory_space<semaphore_mem>>)
      %slice3A_71 = vector.extract_strided_slice %and3A_7 {offsets = [4], sizes = [1], strides = [1]} : vector<16xi32> to vector<1xi32>
      %squeeze3A_72 = vector.extract %slice3A_71[0] : i32 from vector<1xi32>
      %multiple_of3A_73 = tpu.assume_multiple %squeeze3A_72, 128 : i32
      %dma_start3A_74 = arith.constant 4 : i32
      %dma_start3A_75 = arith.constant 0 : i32
      %dma_start3A_76 = arith.constant 0 : i32
      %dma_start3A_77 = tpu.memref_slice %arg6[%dma_start3A_74, %dma_start3A_75, %dma_start3A_76] : memref<8x64x128xf32, #tpu.memory_space<vmem>> -> memref<1x64x128xf32, #tpu.memory_space<vmem>>
      %dma_start3A_78 = tpu.memref_squeeze %dma_start3A_77 : memref<1x64x128xf32, #tpu.memory_space<vmem>> -> memref<64x128xf32, #tpu.memory_space<vmem>>
      %dma_start3A_79 = arith.constant 0 : i32
      %dma_start3A_80 = tpu.memref_slice %arg2[%dma_start3A_79, %multiple_of3A_73] : memref<64x100000xf32, #tpu.memory_space<hbm>> -> memref<64x128xf32, #tpu.memory_space<hbm>>
      %dma_start3A_81 = arith.constant 0 : i32
      %dma_start3A_82 = arith.constant 0 : i32
      %dma_start3A_83 = tpu.memref_slice %arg6[%dma_start3A_74, %dma_start3A_81, %dma_start3A_82] : memref<8x64x128xf32, #tpu.memory_space<vmem>> -> memref<1x64x128xf32, #tpu.memory_space<vmem>>
      %dma_start3A_84 = tpu.memref_squeeze %dma_start3A_83 : memref<1x64x128xf32, #tpu.memory_space<vmem>> -> memref<64x128xf32, #tpu.memory_space<vmem>>
      %dma_start3A_85 = arith.constant 0 : i32
      %dma_start3A_86 = tpu.memref_slice %arg2[%dma_start3A_85, %multiple_of3A_73] : memref<64x100000xf32, #tpu.memory_space<hbm>> -> memref<64x128xf32, #tpu.memory_space<hbm>>
      tpu.enqueue_dma source(%dma_start3A_86 : memref<64x128xf32, #tpu.memory_space<hbm>>) target(%dma_start3A_84 : memref<64x128xf32, #tpu.memory_space<vmem>>) target_semaphore(%arg8 : memref<!tpu.dma_semaphore, #tpu.memory_space<semaphore_mem>>)
      %slice3A_87 = vector.extract_strided_slice %and3A_7 {offsets = [5], sizes = [1], strides = [1]} : vector<16xi32> to vector<1xi32>
      %squeeze3A_88 = vector.extract %slice3A_87[0] : i32 from vector<1xi32>
      %multiple_of3A_89 = tpu.assume_multiple %squeeze3A_88, 128 : i32
      %dma_start3A_90 = arith.constant 5 : i32
      %dma_start3A_91 = arith.constant 0 : i32
      %dma_start3A_92 = arith.constant 0 : i32
      %dma_start3A_93 = tpu.memref_slice %arg6[%dma_start3A_90, %dma_start3A_91, %dma_start3A_92] : memref<8x64x128xf32, #tpu.memory_space<vmem>> -> memref<1x64x128xf32, #tpu.memory_space<vmem>>
      %dma_start3A_94 = tpu.memref_squeeze %dma_start3A_93 : memref<1x64x128xf32, #tpu.memory_space<vmem>> -> memref<64x128xf32, #tpu.memory_space<vmem>>
      %dma_start3A_95 = arith.constant 0 : i32
      %dma_start3A_96 = tpu.memref_slice %arg2[%dma_start3A_95, %multiple_of3A_89] : memref<64x100000xf32, #tpu.memory_space<hbm>> -> memref<64x128xf32, #tpu.memory_space<hbm>>
      %dma_start3A_97 = arith.constant 0 : i32
      %dma_start3A_98 = arith.constant 0 : i32
      %dma_start3A_99 = tpu.memref_slice %arg6[%dma_start3A_90, %dma_start3A_97, %dma_start3A_98] : memref<8x64x128xf32, #tpu.memory_space<vmem>> -> memref<1x64x128xf32, #tpu.memory_space<vmem>>
      %dma_start3A_100 = tpu.memref_squeeze %dma_start3A_99 : memref<1x64x128xf32, #tpu.memory_space<vmem>> -> memref<64x128xf32, #tpu.memory_space<vmem>>
      %dma_start3A_101 = arith.constant 0 : i32
      %dma_start3A_102 = tpu.memref_slice %arg2[%dma_start3A_101, %multiple_of3A_89] : memref<64x100000xf32, #tpu.memory_space<hbm>> -> memref<64x128xf32, #tpu.memory_space<hbm>>
      tpu.enqueue_dma source(%dma_start3A_102 : memref<64x128xf32, #tpu.memory_space<hbm>>) target(%dma_start3A_100 : memref<64x128xf32, #tpu.memory_space<vmem>>) target_semaphore(%arg8 : memref<!tpu.dma_semaphore, #tpu.memory_space<semaphore_mem>>)
      %slice3A_103 = vector.extract_strided_slice %and3A_7 {offsets = [6], sizes = [1], strides = [1]} : vector<16xi32> to vector<1xi32>
      %squeeze3A_104 = vector.extract %slice3A_103[0] : i32 from vector<1xi32>
      %multiple_of3A_105 = tpu.assume_multiple %squeeze3A_104, 128 : i32
      %dma_start3A_106 = arith.constant 6 : i32
      %dma_start3A_107 = arith.constant 0 : i32
      %dma_start3A_108 = arith.constant 0 : i32
      %dma_start3A_109 = tpu.memref_slice %arg6[%dma_start3A_106, %dma_start3A_107, %dma_start3A_108] : memref<8x64x128xf32, #tpu.memory_space<vmem>> -> memref<1x64x128xf32, #tpu.memory_space<vmem>>
      %dma_start3A_110 = tpu.memref_squeeze %dma_start3A_109 : memref<1x64x128xf32, #tpu.memory_space<vmem>> -> memref<64x128xf32, #tpu.memory_space<vmem>>
      %dma_start3A_111 = arith.constant 0 : i32
      %dma_start3A_112 = tpu.memref_slice %arg2[%dma_start3A_111, %multiple_of3A_105] : memref<64x100000xf32, #tpu.memory_space<hbm>> -> memref<64x128xf32, #tpu.memory_space<hbm>>
      %dma_start3A_113 = arith.constant 0 : i32
      %dma_start3A_114 = arith.constant 0 : i32
      %dma_start3A_115 = tpu.memref_slice %arg6[%dma_start3A_106, %dma_start3A_113, %dma_start3A_114] : memref<8x64x128xf32, #tpu.memory_space<vmem>> -> memref<1x64x128xf32, #tpu.memory_space<vmem>>
      %dma_start3A_116 = tpu.memref_squeeze %dma_start3A_115 : memref<1x64x128xf32, #tpu.memory_space<vmem>> -> memref<64x128xf32, #tpu.memory_space<vmem>>
      %dma_start3A_117 = arith.constant 0 : i32
      %dma_start3A_118 = tpu.memref_slice %arg2[%dma_start3A_117, %multiple_of3A_105] : memref<64x100000xf32, #tpu.memory_space<hbm>> -> memref<64x128xf32, #tpu.memory_space<hbm>>
      tpu.enqueue_dma source(%dma_start3A_118 : memref<64x128xf32, #tpu.memory_space<hbm>>) target(%dma_start3A_116 : memref<64x128xf32, #tpu.memory_space<vmem>>) target_semaphore(%arg8 : memref<!tpu.dma_semaphore, #tpu.memory_space<semaphore_mem>>)
      %slice3A_119 = vector.extract_strided_slice %and3A_7 {offsets = [7], sizes = [1], strides = [1]} : vector<16xi32> to vector<1xi32>
      %squeeze3A_120 = vector.extract %slice3A_119[0] : i32 from vector<1xi32>
      %multiple_of3A_121 = tpu.assume_multiple %squeeze3A_120, 128 : i32
      %dma_start3A_122 = arith.constant 7 : i32
      %dma_start3A_123 = arith.constant 0 : i32
      %dma_start3A_124 = arith.constant 0 : i32
      %dma_start3A_125 = tpu.memref_slice %arg6[%dma_start3A_122, %dma_start3A_123, %dma_start3A_124] : memref<8x64x128xf32, #tpu.memory_space<vmem>> -> memref<1x64x128xf32, #tpu.memory_space<vmem>>
      %dma_start3A_126 = tpu.memref_squeeze %dma_start3A_125 : memref<1x64x128xf32, #tpu.memory_space<vmem>> -> memref<64x128xf32, #tpu.memory_space<vmem>>
      %dma_start3A_127 = arith.constant 0 : i32
      %dma_start3A_128 = tpu.memref_slice %arg2[%dma_start3A_127, %multiple_of3A_121] : memref<64x100000xf32, #tpu.memory_space<hbm>> -> memref<64x128xf32, #tpu.memory_space<hbm>>
      %dma_start3A_129 = arith.constant 0 : i32
      %dma_start3A_130 = arith.constant 0 : i32
      %dma_start3A_131 = tpu.memref_slice %arg6[%dma_start3A_122, %dma_start3A_129, %dma_start3A_130] : memref<8x64x128xf32, #tpu.memory_space<vmem>> -> memref<1x64x128xf32, #tpu.memory_space<vmem>>
      %dma_start3A_132 = tpu.memref_squeeze %dma_start3A_131 : memref<1x64x128xf32, #tpu.memory_space<vmem>> -> memref<64x128xf32, #tpu.memory_space<vmem>>
      %dma_start3A_133 = arith.constant 0 : i32
      %dma_start3A_134 = tpu.memref_slice %arg2[%dma_start3A_133, %multiple_of3A_121] : memref<64x100000xf32, #tpu.memory_space<hbm>> -> memref<64x128xf32, #tpu.memory_space<hbm>>
      tpu.enqueue_dma source(%dma_start3A_134 : memref<64x128xf32, #tpu.memory_space<hbm>>) target(%dma_start3A_132 : memref<64x128xf32, #tpu.memory_space<vmem>>) target_semaphore(%arg8 : memref<!tpu.dma_semaphore, #tpu.memory_space<semaphore_mem>>)
      %dma_wait3A = arith.constant 0 : i32
      %dma_wait3A_135 = arith.constant 0 : i32
      %dma_wait3A_136 = arith.constant 0 : i32
      %dma_wait3A_137 = tpu.memref_slice %arg6[%dma_wait3A, %dma_wait3A_135, %dma_wait3A_136] : memref<8x64x128xf32, #tpu.memory_space<vmem>> -> memref<1x64x128xf32, #tpu.memory_space<vmem>>
      %dma_wait3A_138 = tpu.memref_squeeze %dma_wait3A_137 : memref<1x64x128xf32, #tpu.memory_space<vmem>> -> memref<64x128xf32, #tpu.memory_space<vmem>>
      %dma_wait3A_139 = arith.constant 0 : i32
      %dma_wait3A_140 = tpu.memref_slice %arg2[%dma_wait3A_139, %multiple_of3A] : memref<64x100000xf32, #tpu.memory_space<hbm>> -> memref<64x128xf32, #tpu.memory_space<hbm>>
      %dma_wait3A_141 = arith.constant 0 : i32
      %dma_wait3A_142 = arith.constant 0 : i32
      %dma_wait3A_143 = tpu.memref_slice %arg6[%dma_wait3A, %dma_wait3A_141, %dma_wait3A_142] : memref<8x64x128xf32, #tpu.memory_space<vmem>> -> memref<1x64x128xf32, #tpu.memory_space<vmem>>
      %dma_wait3A_144 = tpu.memref_squeeze %dma_wait3A_143 : memref<1x64x128xf32, #tpu.memory_space<vmem>> -> memref<64x128xf32, #tpu.memory_space<vmem>>
      %dma_wait3A_145 = arith.constant 0 : i32
      %dma_wait3A_146 = tpu.memref_slice %arg2[%dma_wait3A_145, %multiple_of3A] : memref<64x100000xf32, #tpu.memory_space<hbm>> -> memref<64x128xf32, #tpu.memory_space<hbm>>
      tpu.wait_dma2 semaphore(%arg8 : memref<!tpu.dma_semaphore, #tpu.memory_space<semaphore_mem>>) src(%dma_wait3A_146 : memref<64x128xf32, #tpu.memory_space<hbm>>) dst(%dma_wait3A_144 : memref<64x128xf32, #tpu.memory_space<vmem>>)
      %dma_wait3A_147 = arith.constant 1 : i32
      %dma_wait3A_148 = arith.constant 0 : i32
      %dma_wait3A_149 = arith.constant 0 : i32
      %dma_wait3A_150 = tpu.memref_slice %arg6[%dma_wait3A_147, %dma_wait3A_148, %dma_wait3A_149] : memref<8x64x128xf32, #tpu.memory_space<vmem>> -> memref<1x64x128xf32, #tpu.memory_space<vmem>>
      %dma_wait3A_151 = tpu.memref_squeeze %dma_wait3A_150 : memref<1x64x128xf32, #tpu.memory_space<vmem>> -> memref<64x128xf32, #tpu.memory_space<vmem>>
      %dma_wait3A_152 = arith.constant 0 : i32
      %dma_wait3A_153 = tpu.memref_slice %arg2[%dma_wait3A_152, %multiple_of3A_25] : memref<64x100000xf32, #tpu.memory_space<hbm>> -> memref<64x128xf32, #tpu.memory_space<hbm>>
      %dma_wait3A_154 = arith.constant 0 : i32
      %dma_wait3A_155 = arith.constant 0 : i32
      %dma_wait3A_156 = tpu.memref_slice %arg6[%dma_wait3A_147, %dma_wait3A_154, %dma_wait3A_155] : memref<8x64x128xf32, #tpu.memory_space<vmem>> -> memref<1x64x128xf32, #tpu.memory_space<vmem>>
      %dma_wait3A_157 = tpu.memref_squeeze %dma_wait3A_156 : memref<1x64x128xf32, #tpu.memory_space<vmem>> -> memref<64x128xf32, #tpu.memory_space<vmem>>
      %dma_wait3A_158 = arith.constant 0 : i32
      %dma_wait3A_159 = tpu.memref_slice %arg2[%dma_wait3A_158, %multiple_of3A_25] : memref<64x100000xf32, #tpu.memory_space<hbm>> -> memref<64x128xf32, #tpu.memory_space<hbm>>
      tpu.wait_dma2 semaphore(%arg8 : memref<!tpu.dma_semaphore, #tpu.memory_space<semaphore_mem>>) src(%dma_wait3A_159 : memref<64x128xf32, #tpu.memory_space<hbm>>) dst(%dma_wait3A_157 : memref<64x128xf32, #tpu.memory_space<vmem>>)
      %dma_wait3A_160 = arith.constant 2 : i32
      %dma_wait3A_161 = arith.constant 0 : i32
      %dma_wait3A_162 = arith.constant 0 : i32
      %dma_wait3A_163 = tpu.memref_slice %arg6[%dma_wait3A_160, %dma_wait3A_161, %dma_wait3A_162] : memref<8x64x128xf32, #tpu.memory_space<vmem>> -> memref<1x64x128xf32, #tpu.memory_space<vmem>>
      %dma_wait3A_164 = tpu.memref_squeeze %dma_wait3A_163 : memref<1x64x128xf32, #tpu.memory_space<vmem>> -> memref<64x128xf32, #tpu.memory_space<vmem>>
      %dma_wait3A_165 = arith.constant 0 : i32
      %dma_wait3A_166 = tpu.memref_slice %arg2[%dma_wait3A_165, %multiple_of3A_41] : memref<64x100000xf32, #tpu.memory_space<hbm>> -> memref<64x128xf32, #tpu.memory_space<hbm>>
      %dma_wait3A_167 = arith.constant 0 : i32
      %dma_wait3A_168 = arith.constant 0 : i32
      %dma_wait3A_169 = tpu.memref_slice %arg6[%dma_wait3A_160, %dma_wait3A_167, %dma_wait3A_168] : memref<8x64x128xf32, #tpu.memory_space<vmem>> -> memref<1x64x128xf32, #tpu.memory_space<vmem>>
      %dma_wait3A_170 = tpu.memref_squeeze %dma_wait3A_169 : memref<1x64x128xf32, #tpu.memory_space<vmem>> -> memref<64x128xf32, #tpu.memory_space<vmem>>
      %dma_wait3A_171 = arith.constant 0 : i32
      %dma_wait3A_172 = tpu.memref_slice %arg2[%dma_wait3A_171, %multiple_of3A_41] : memref<64x100000xf32, #tpu.memory_space<hbm>> -> memref<64x128xf32, #tpu.memory_space<hbm>>
      tpu.wait_dma2 semaphore(%arg8 : memref<!tpu.dma_semaphore, #tpu.memory_space<semaphore_mem>>) src(%dma_wait3A_172 : memref<64x128xf32, #tpu.memory_space<hbm>>) dst(%dma_wait3A_170 : memref<64x128xf32, #tpu.memory_space<vmem>>)
      %dma_wait3A_173 = arith.constant 3 : i32
      %dma_wait3A_174 = arith.constant 0 : i32
      %dma_wait3A_175 = arith.constant 0 : i32
      %dma_wait3A_176 = tpu.memref_slice %arg6[%dma_wait3A_173, %dma_wait3A_174, %dma_wait3A_175] : memref<8x64x128xf32, #tpu.memory_space<vmem>> -> memref<1x64x128xf32, #tpu.memory_space<vmem>>
      %dma_wait3A_177 = tpu.memref_squeeze %dma_wait3A_176 : memref<1x64x128xf32, #tpu.memory_space<vmem>> -> memref<64x128xf32, #tpu.memory_space<vmem>>
      %dma_wait3A_178 = arith.constant 0 : i32
      %dma_wait3A_179 = tpu.memref_slice %arg2[%dma_wait3A_178, %multiple_of3A_57] : memref<64x100000xf32, #tpu.memory_space<hbm>> -> memref<64x128xf32, #tpu.memory_space<hbm>>
      %dma_wait3A_180 = arith.constant 0 : i32
      %dma_wait3A_181 = arith.constant 0 : i32
      %dma_wait3A_182 = tpu.memref_slice %arg6[%dma_wait3A_173, %dma_wait3A_180, %dma_wait3A_181] : memref<8x64x128xf32, #tpu.memory_space<vmem>> -> memref<1x64x128xf32, #tpu.memory_space<vmem>>
      %dma_wait3A_183 = tpu.memref_squeeze %dma_wait3A_182 : memref<1x64x128xf32, #tpu.memory_space<vmem>> -> memref<64x128xf32, #tpu.memory_space<vmem>>
      %dma_wait3A_184 = arith.constant 0 : i32
      %dma_wait3A_185 = tpu.memref_slice %arg2[%dma_wait3A_184, %multiple_of3A_57] : memref<64x100000xf32, #tpu.memory_space<hbm>> -> memref<64x128xf32, #tpu.memory_space<hbm>>
      tpu.wait_dma2 semaphore(%arg8 : memref<!tpu.dma_semaphore, #tpu.memory_space<semaphore_mem>>) src(%dma_wait3A_185 : memref<64x128xf32, #tpu.memory_space<hbm>>) dst(%dma_wait3A_183 : memref<64x128xf32, #tpu.memory_space<vmem>>)
      %dma_wait3A_186 = arith.constant 4 : i32
      %dma_wait3A_187 = arith.constant 0 : i32
      %dma_wait3A_188 = arith.constant 0 : i32
      %dma_wait3A_189 = tpu.memref_slice %arg6[%dma_wait3A_186, %dma_wait3A_187, %dma_wait3A_188] : memref<8x64x128xf32, #tpu.memory_space<vmem>> -> memref<1x64x128xf32, #tpu.memory_space<vmem>>
      %dma_wait3A_190 = tpu.memref_squeeze %dma_wait3A_189 : memref<1x64x128xf32, #tpu.memory_space<vmem>> -> memref<64x128xf32, #tpu.memory_space<vmem>>
      %dma_wait3A_191 = arith.constant 0 : i32
      %dma_wait3A_192 = tpu.memref_slice %arg2[%dma_wait3A_191, %multiple_of3A_73] : memref<64x100000xf32, #tpu.memory_space<hbm>> -> memref<64x128xf32, #tpu.memory_space<hbm>>
      %dma_wait3A_193 = arith.constant 0 : i32
      %dma_wait3A_194 = arith.constant 0 : i32
      %dma_wait3A_195 = tpu.memref_slice %arg6[%dma_wait3A_186, %dma_wait3A_193, %dma_wait3A_194] : memref<8x64x128xf32, #tpu.memory_space<vmem>> -> memref<1x64x128xf32, #tpu.memory_space<vmem>>
      %dma_wait3A_196 = tpu.memref_squeeze %dma_wait3A_195 : memref<1x64x128xf32, #tpu.memory_space<vmem>> -> memref<64x128xf32, #tpu.memory_space<vmem>>
      %dma_wait3A_197 = arith.constant 0 : i32
      %dma_wait3A_198 = tpu.memref_slice %arg2[%dma_wait3A_197, %multiple_of3A_73] : memref<64x100000xf32, #tpu.memory_space<hbm>> -> memref<64x128xf32, #tpu.memory_space<hbm>>
      tpu.wait_dma2 semaphore(%arg8 : memref<!tpu.dma_semaphore, #tpu.memory_space<semaphore_mem>>) src(%dma_wait3A_198 : memref<64x128xf32, #tpu.memory_space<hbm>>) dst(%dma_wait3A_196 : memref<64x128xf32, #tpu.memory_space<vmem>>)
      %dma_wait3A_199 = arith.constant 5 : i32
      %dma_wait3A_200 = arith.constant 0 : i32
      %dma_wait3A_201 = arith.constant 0 : i32
      %dma_wait3A_202 = tpu.memref_slice %arg6[%dma_wait3A_199, %dma_wait3A_200, %dma_wait3A_201] : memref<8x64x128xf32, #tpu.memory_space<vmem>> -> memref<1x64x128xf32, #tpu.memory_space<vmem>>
      %dma_wait3A_203 = tpu.memref_squeeze %dma_wait3A_202 : memref<1x64x128xf32, #tpu.memory_space<vmem>> -> memref<64x128xf32, #tpu.memory_space<vmem>>
      %dma_wait3A_204 = arith.constant 0 : i32
      %dma_wait3A_205 = tpu.memref_slice %arg2[%dma_wait3A_204, %multiple_of3A_89] : memref<64x100000xf32, #tpu.memory_space<hbm>> -> memref<64x128xf32, #tpu.memory_space<hbm>>
      %dma_wait3A_206 = arith.constant 0 : i32
      %dma_wait3A_207 = arith.constant 0 : i32
      %dma_wait3A_208 = tpu.memref_slice %arg6[%dma_wait3A_199, %dma_wait3A_206, %dma_wait3A_207] : memref<8x64x128xf32, #tpu.memory_space<vmem>> -> memref<1x64x128xf32, #tpu.memory_space<vmem>>
      %dma_wait3A_209 = tpu.memref_squeeze %dma_wait3A_208 : memref<1x64x128xf32, #tpu.memory_space<vmem>> -> memref<64x128xf32, #tpu.memory_space<vmem>>
      %dma_wait3A_210 = arith.constant 0 : i32
      %dma_wait3A_211 = tpu.memref_slice %arg2[%dma_wait3A_210, %multiple_of3A_89] : memref<64x100000xf32, #tpu.memory_space<hbm>> -> memref<64x128xf32, #tpu.memory_space<hbm>>
      tpu.wait_dma2 semaphore(%arg8 : memref<!tpu.dma_semaphore, #tpu.memory_space<semaphore_mem>>) src(%dma_wait3A_211 : memref<64x128xf32, #tpu.memory_space<hbm>>) dst(%dma_wait3A_209 : memref<64x128xf32, #tpu.memory_space<vmem>>)
      %dma_wait3A_212 = arith.constant 6 : i32
      %dma_wait3A_213 = arith.constant 0 : i32
      %dma_wait3A_214 = arith.constant 0 : i32
      %dma_wait3A_215 = tpu.memref_slice %arg6[%dma_wait3A_212, %dma_wait3A_213, %dma_wait3A_214] : memref<8x64x128xf32, #tpu.memory_space<vmem>> -> memref<1x64x128xf32, #tpu.memory_space<vmem>>
      %dma_wait3A_216 = tpu.memref_squeeze %dma_wait3A_215 : memref<1x64x128xf32, #tpu.memory_space<vmem>> -> memref<64x128xf32, #tpu.memory_space<vmem>>
      %dma_wait3A_217 = arith.constant 0 : i32
      %dma_wait3A_218 = tpu.memref_slice %arg2[%dma_wait3A_217, %multiple_of3A_105] : memref<64x100000xf32, #tpu.memory_space<hbm>> -> memref<64x128xf32, #tpu.memory_space<hbm>>
      %dma_wait3A_219 = arith.constant 0 : i32
      %dma_wait3A_220 = arith.constant 0 : i32
      %dma_wait3A_221 = tpu.memref_slice %arg6[%dma_wait3A_212, %dma_wait3A_219, %dma_wait3A_220] : memref<8x64x128xf32, #tpu.memory_space<vmem>> -> memref<1x64x128xf32, #tpu.memory_space<vmem>>
      %dma_wait3A_222 = tpu.memref_squeeze %dma_wait3A_221 : memref<1x64x128xf32, #tpu.memory_space<vmem>> -> memref<64x128xf32, #tpu.memory_space<vmem>>
      %dma_wait3A_223 = arith.constant 0 : i32
      %dma_wait3A_224 = tpu.memref_slice %arg2[%dma_wait3A_223, %multiple_of3A_105] : memref<64x100000xf32, #tpu.memory_space<hbm>> -> memref<64x128xf32, #tpu.memory_space<hbm>>
      tpu.wait_dma2 semaphore(%arg8 : memref<!tpu.dma_semaphore, #tpu.memory_space<semaphore_mem>>) src(%dma_wait3A_224 : memref<64x128xf32, #tpu.memory_space<hbm>>) dst(%dma_wait3A_222 : memref<64x128xf32, #tpu.memory_space<vmem>>)
      %dma_wait3A_225 = arith.constant 7 : i32
      %dma_wait3A_226 = arith.constant 0 : i32
      %dma_wait3A_227 = arith.constant 0 : i32
      %dma_wait3A_228 = tpu.memref_slice %arg6[%dma_wait3A_225, %dma_wait3A_226, %dma_wait3A_227] : memref<8x64x128xf32, #tpu.memory_space<vmem>> -> memref<1x64x128xf32, #tpu.memory_space<vmem>>
      %dma_wait3A_229 = tpu.memref_squeeze %dma_wait3A_228 : memref<1x64x128xf32, #tpu.memory_space<vmem>> -> memref<64x128xf32, #tpu.memory_space<vmem>>
      %dma_wait3A_230 = arith.constant 0 : i32
      %dma_wait3A_231 = tpu.memref_slice %arg2[%dma_wait3A_230, %multiple_of3A_121] : memref<64x100000xf32, #tpu.memory_space<hbm>> -> memref<64x128xf32, #tpu.memory_space<hbm>>
      %dma_wait3A_232 = arith.constant 0 : i32
      %dma_wait3A_233 = arith.constant 0 : i32
      %dma_wait3A_234 = tpu.memref_slice %arg6[%dma_wait3A_225, %dma_wait3A_232, %dma_wait3A_233] : memref<8x64x128xf32, #tpu.memory_space<vmem>> -> memref<1x64x128xf32, #tpu.memory_space<vmem>>
      %dma_wait3A_235 = tpu.memref_squeeze %dma_wait3A_234 : memref<1x64x128xf32, #tpu.memory_space<vmem>> -> memref<64x128xf32, #tpu.memory_space<vmem>>
      %dma_wait3A_236 = arith.constant 0 : i32
      %dma_wait3A_237 = tpu.memref_slice %arg2[%dma_wait3A_236, %multiple_of3A_121] : memref<64x100000xf32, #tpu.memory_space<hbm>> -> memref<64x128xf32, #tpu.memory_space<hbm>>
      tpu.wait_dma2 semaphore(%arg8 : memref<!tpu.dma_semaphore, #tpu.memory_space<semaphore_mem>>) src(%dma_wait3A_237 : memref<64x128xf32, #tpu.memory_space<hbm>>) dst(%dma_wait3A_235 : memref<64x128xf32, #tpu.memory_space<vmem>>)
      %slice3A_238 = vector.extract_strided_slice %and3A_10 {offsets = [0], sizes = [1], strides = [1]} : vector<16xi32> to vector<1xi32>
      %squeeze3A_239 = vector.extract %slice3A_238[0] : i32 from vector<1xi32>
      %broadcast_in_dim3A = vector.broadcast %squeeze3A_239 : i32 to vector<16xi32>
      %iota3A = tpu.iota {dimensions = array<i32: 0>} : vector<16xi32>
      %add3A_240 = arith.constant 0 : i32
      %add3A_241 = vector.broadcast %add3A_240 : i32 to vector<16xi32>
      %add3A_242 = arith.addi %iota3A, %add3A_241 : vector<16xi32>
      %gather3A = arith.constant 0 : i32
      %gather3A_243 = arith.constant 0 : i32
      %gather3A_244 = arith.constant 0 : i32
      %gather3A_245 = tpu.memref_slice %arg6[%gather3A, %gather3A_243, %gather3A_244] : memref<8x64x128xf32, #tpu.memory_space<vmem>> -> memref<1x64x128xf32, #tpu.memory_space<vmem>>
      %gather3A_246 = tpu.memref_squeeze %gather3A_245 : memref<1x64x128xf32, #tpu.memory_space<vmem>> -> memref<64x128xf32, #tpu.memory_space<vmem>>
      %gather3A_247 = tpu.vector_load_idx %gather3A_246[%add3A_242, %broadcast_in_dim3A] : memref<64x128xf32, #tpu.memory_space<vmem>>[vector<16xi32>, vector<16xi32>], vector<16xf32>,
      %swap3A = arith.constant 0 : i32
      %swap3A_248 = arith.index_cast %swap3A : i32 to index
      %swap3A_249 = arith.constant 0 : index
      %swap3A_250 = tpu.vector_load %arg7[%swap3A_248, %swap3A_249] {strides = array<i32>} : memref<8x64xf32, #tpu.memory_space<vmem>>, vector<16xf32>,
      tpu.vector_store %arg7[%swap3A_248, %swap3A_249], %gather3A_247 {strides = array<i32>} : memref<8x64xf32, #tpu.memory_space<vmem>>, vector<16xf32>,
      %iota3A_251 = tpu.iota {dimensions = array<i32: 0>} : vector<16xi32>
      %add3A_252 = arith.constant 16 : i32
      %add3A_253 = vector.broadcast %add3A_252 : i32 to vector<16xi32>
      %add3A_254 = arith.addi %iota3A_251, %add3A_253 : vector<16xi32>
      %gather3A_255 = arith.constant 0 : i32
      %gather3A_256 = arith.constant 0 : i32
      %gather3A_257 = arith.constant 0 : i32
      %gather3A_258 = tpu.memref_slice %arg6[%gather3A_255, %gather3A_256, %gather3A_257] : memref<8x64x128xf32, #tpu.memory_space<vmem>> -> memref<1x64x128xf32, #tpu.memory_space<vmem>>
      %gather3A_259 = tpu.memref_squeeze %gather3A_258 : memref<1x64x128xf32, #tpu.memory_space<vmem>> -> memref<64x128xf32, #tpu.memory_space<vmem>>
      %gather3A_260 = tpu.vector_load_idx %gather3A_259[%add3A_254, %broadcast_in_dim3A] : memref<64x128xf32, #tpu.memory_space<vmem>>[vector<16xi32>, vector<16xi32>], vector<16xf32>,
      %swap3A_261 = arith.constant 0 : i32
      %swap3A_262 = arith.index_cast %swap3A_261 : i32 to index
      %swap3A_263 = arith.constant 16 : index
      %swap3A_264 = tpu.vector_load %arg7[%swap3A_262, %swap3A_263] {strides = array<i32>} : memref<8x64xf32, #tpu.memory_space<vmem>>, vector<16xf32>,
      tpu.vector_store %arg7[%swap3A_262, %swap3A_263], %gather3A_260 {strides = array<i32>} : memref<8x64xf32, #tpu.memory_space<vmem>>, vector<16xf32>,
      %iota3A_265 = tpu.iota {dimensions = array<i32: 0>} : vector<16xi32>
      %add3A_266 = arith.constant 32 : i32
      %add3A_267 = vector.broadcast %add3A_266 : i32 to vector<16xi32>
      %add3A_268 = arith.addi %iota3A_265, %add3A_267 : vector<16xi32>
      %gather3A_269 = arith.constant 0 : i32
      %gather3A_270 = arith.constant 0 : i32
      %gather3A_271 = arith.constant 0 : i32
      %gather3A_272 = tpu.memref_slice %arg6[%gather3A_269, %gather3A_270, %gather3A_271] : memref<8x64x128xf32, #tpu.memory_space<vmem>> -> memref<1x64x128xf32, #tpu.memory_space<vmem>>
      %gather3A_273 = tpu.memref_squeeze %gather3A_272 : memref<1x64x128xf32, #tpu.memory_space<vmem>> -> memref<64x128xf32, #tpu.memory_space<vmem>>
      %gather3A_274 = tpu.vector_load_idx %gather3A_273[%add3A_268, %broadcast_in_dim3A] : memref<64x128xf32, #tpu.memory_space<vmem>>[vector<16xi32>, vector<16xi32>], vector<16xf32>,
      %swap3A_275 = arith.constant 0 : i32
      %swap3A_276 = arith.index_cast %swap3A_275 : i32 to index
      %swap3A_277 = arith.constant 32 : index
      %swap3A_278 = tpu.vector_load %arg7[%swap3A_276, %swap3A_277] {strides = array<i32>} : memref<8x64xf32, #tpu.memory_space<vmem>>, vector<16xf32>,
      tpu.vector_store %arg7[%swap3A_276, %swap3A_277], %gather3A_274 {strides = array<i32>} : memref<8x64xf32, #tpu.memory_space<vmem>>, vector<16xf32>,
      %iota3A_279 = tpu.iota {dimensions = array<i32: 0>} : vector<16xi32>
      %add3A_280 = arith.constant 48 : i32
      %add3A_281 = vector.broadcast %add3A_280 : i32 to vector<16xi32>
      %add3A_282 = arith.addi %iota3A_279, %add3A_281 : vector<16xi32>
      %gather3A_283 = arith.constant 0 : i32
      %gather3A_284 = arith.constant 0 : i32
      %gather3A_285 = arith.constant 0 : i32
      %gather3A_286 = tpu.memref_slice %arg6[%gather3A_283, %gather3A_284, %gather3A_285] : memref<8x64x128xf32, #tpu.memory_space<vmem>> -> memref<1x64x128xf32, #tpu.memory_space<vmem>>
      %gather3A_287 = tpu.memref_squeeze %gather3A_286 : memref<1x64x128xf32, #tpu.memory_space<vmem>> -> memref<64x128xf32, #tpu.memory_space<vmem>>
      %gather3A_288 = tpu.vector_load_idx %gather3A_287[%add3A_282, %broadcast_in_dim3A] : memref<64x128xf32, #tpu.memory_space<vmem>>[vector<16xi32>, vector<16xi32>], vector<16xf32>,
      %swap3A_289 = arith.constant 0 : i32
      %swap3A_290 = arith.index_cast %swap3A_289 : i32 to index
      %swap3A_291 = arith.constant 48 : index
      %swap3A_292 = tpu.vector_load %arg7[%swap3A_290, %swap3A_291] {strides = array<i32>} : memref<8x64xf32, #tpu.memory_space<vmem>>, vector<16xf32>,
      tpu.vector_store %arg7[%swap3A_290, %swap3A_291], %gather3A_288 {strides = array<i32>} : memref<8x64xf32, #tpu.memory_space<vmem>>, vector<16xf32>,
      %slice3A_293 = vector.extract_strided_slice %and3A_10 {offsets = [1], sizes = [1], strides = [1]} : vector<16xi32> to vector<1xi32>
      %squeeze3A_294 = vector.extract %slice3A_293[0] : i32 from vector<1xi32>
      %broadcast_in_dim3A_295 = vector.broadcast %squeeze3A_294 : i32 to vector<16xi32>
      %iota3A_296 = tpu.iota {dimensions = array<i32: 0>} : vector<16xi32>
      %add3A_297 = arith.constant 0 : i32
      %add3A_298 = vector.broadcast %add3A_297 : i32 to vector<16xi32>
      %add3A_299 = arith.addi %iota3A_296, %add3A_298 : vector<16xi32>
      %gather3A_300 = arith.constant 1 : i32
      %gather3A_301 = arith.constant 0 : i32
      %gather3A_302 = arith.constant 0 : i32
      %gather3A_303 = tpu.memref_slice %arg6[%gather3A_300, %gather3A_301, %gather3A_302] : memref<8x64x128xf32, #tpu.memory_space<vmem>> -> memref<1x64x128xf32, #tpu.memory_space<vmem>>
      %gather3A_304 = tpu.memref_squeeze %gather3A_303 : memref<1x64x128xf32, #tpu.memory_space<vmem>> -> memref<64x128xf32, #tpu.memory_space<vmem>>
      %gather3A_305 = tpu.vector_load_idx %gather3A_304[%add3A_299, %broadcast_in_dim3A_295] : memref<64x128xf32, #tpu.memory_space<vmem>>[vector<16xi32>, vector<16xi32>], vector<16xf32>,
      %swap3A_306 = arith.constant 1 : i32
      %swap3A_307 = arith.index_cast %swap3A_306 : i32 to index
      %swap3A_308 = arith.constant 0 : index
      %swap3A_309 = tpu.vector_load %arg7[%swap3A_307, %swap3A_308] {strides = array<i32>} : memref<8x64xf32, #tpu.memory_space<vmem>>, vector<16xf32>,
      tpu.vector_store %arg7[%swap3A_307, %swap3A_308], %gather3A_305 {strides = array<i32>} : memref<8x64xf32, #tpu.memory_space<vmem>>, vector<16xf32>,
      %iota3A_310 = tpu.iota {dimensions = array<i32: 0>} : vector<16xi32>
      %add3A_311 = arith.constant 16 : i32
      %add3A_312 = vector.broadcast %add3A_311 : i32 to vector<16xi32>
      %add3A_313 = arith.addi %iota3A_310, %add3A_312 : vector<16xi32>
      %gather3A_314 = arith.constant 1 : i32
      %gather3A_315 = arith.constant 0 : i32
      %gather3A_316 = arith.constant 0 : i32
      %gather3A_317 = tpu.memref_slice %arg6[%gather3A_314, %gather3A_315, %gather3A_316] : memref<8x64x128xf32, #tpu.memory_space<vmem>> -> memref<1x64x128xf32, #tpu.memory_space<vmem>>
      %gather3A_318 = tpu.memref_squeeze %gather3A_317 : memref<1x64x128xf32, #tpu.memory_space<vmem>> -> memref<64x128xf32, #tpu.memory_space<vmem>>
      %gather3A_319 = tpu.vector_load_idx %gather3A_318[%add3A_313, %broadcast_in_dim3A_295] : memref<64x128xf32, #tpu.memory_space<vmem>>[vector<16xi32>, vector<16xi32>], vector<16xf32>,
      %swap3A_320 = arith.constant 1 : i32
      %swap3A_321 = arith.index_cast %swap3A_320 : i32 to index
      %swap3A_322 = arith.constant 16 : index
      %swap3A_323 = tpu.vector_load %arg7[%swap3A_321, %swap3A_322] {strides = array<i32>} : memref<8x64xf32, #tpu.memory_space<vmem>>, vector<16xf32>,
      tpu.vector_store %arg7[%swap3A_321, %swap3A_322], %gather3A_319 {strides = array<i32>} : memref<8x64xf32, #tpu.memory_space<vmem>>, vector<16xf32>,
      %iota3A_324 = tpu.iota {dimensions = array<i32: 0>} : vector<16xi32>
      %add3A_325 = arith.constant 32 : i32
      %add3A_326 = vector.broadcast %add3A_325 : i32 to vector<16xi32>
      %add3A_327 = arith.addi %iota3A_324, %add3A_326 : vector<16xi32>
      %gather3A_328 = arith.constant 1 : i32
      %gather3A_329 = arith.constant 0 : i32
      %gather3A_330 = arith.constant 0 : i32
      %gather3A_331 = tpu.memref_slice %arg6[%gather3A_328, %gather3A_329, %gather3A_330] : memref<8x64x128xf32, #tpu.memory_space<vmem>> -> memref<1x64x128xf32, #tpu.memory_space<vmem>>
      %gather3A_332 = tpu.memref_squeeze %gather3A_331 : memref<1x64x128xf32, #tpu.memory_space<vmem>> -> memref<64x128xf32, #tpu.memory_space<vmem>>
      %gather3A_333 = tpu.vector_load_idx %gather3A_332[%add3A_327, %broadcast_in_dim3A_295] : memref<64x128xf32, #tpu.memory_space<vmem>>[vector<16xi32>, vector<16xi32>], vector<16xf32>,
      %swap3A_334 = arith.constant 1 : i32
      %swap3A_335 = arith.index_cast %swap3A_334 : i32 to index
      %swap3A_336 = arith.constant 32 : index
      %swap3A_337 = tpu.vector_load %arg7[%swap3A_335, %swap3A_336] {strides = array<i32>} : memref<8x64xf32, #tpu.memory_space<vmem>>, vector<16xf32>,
      tpu.vector_store %arg7[%swap3A_335, %swap3A_336], %gather3A_333 {strides = array<i32>} : memref<8x64xf32, #tpu.memory_space<vmem>>, vector<16xf32>,
      %iota3A_338 = tpu.iota {dimensions = array<i32: 0>} : vector<16xi32>
      %add3A_339 = arith.constant 48 : i32
      %add3A_340 = vector.broadcast %add3A_339 : i32 to vector<16xi32>
      %add3A_341 = arith.addi %iota3A_338, %add3A_340 : vector<16xi32>
      %gather3A_342 = arith.constant 1 : i32
      %gather3A_343 = arith.constant 0 : i32
      %gather3A_344 = arith.constant 0 : i32
      %gather3A_345 = tpu.memref_slice %arg6[%gather3A_342, %gather3A_343, %gather3A_344] : memref<8x64x128xf32, #tpu.memory_space<vmem>> -> memref<1x64x128xf32, #tpu.memory_space<vmem>>
      %gather3A_346 = tpu.memref_squeeze %gather3A_345 : memref<1x64x128xf32, #tpu.memory_space<vmem>> -> memref<64x128xf32, #tpu.memory_space<vmem>>
      %gather3A_347 = tpu.vector_load_idx %gather3A_346[%add3A_341, %broadcast_in_dim3A_295] : memref<64x128xf32, #tpu.memory_space<vmem>>[vector<16xi32>, vector<16xi32>], vector<16xf32>,
      %swap3A_348 = arith.constant 1 : i32
      %swap3A_349 = arith.index_cast %swap3A_348 : i32 to index
      %swap3A_350 = arith.constant 48 : index
      %swap3A_351 = tpu.vector_load %arg7[%swap3A_349, %swap3A_350] {strides = array<i32>} : memref<8x64xf32, #tpu.memory_space<vmem>>, vector<16xf32>,
      tpu.vector_store %arg7[%swap3A_349, %swap3A_350], %gather3A_347 {strides = array<i32>} : memref<8x64xf32, #tpu.memory_space<vmem>>, vector<16xf32>,
      %slice3A_352 = vector.extract_strided_slice %and3A_10 {offsets = [2], sizes = [1], strides = [1]} : vector<16xi32> to vector<1xi32>
      %squeeze3A_353 = vector.extract %slice3A_352[0] : i32 from vector<1xi32>
      %broadcast_in_dim3A_354 = vector.broadcast %squeeze3A_353 : i32 to vector<16xi32>
      %iota3A_355 = tpu.iota {dimensions = array<i32: 0>} : vector<16xi32>
      %add3A_356 = arith.constant 0 : i32
      %add3A_357 = vector.broadcast %add3A_356 : i32 to vector<16xi32>
      %add3A_358 = arith.addi %iota3A_355, %add3A_357 : vector<16xi32>
      %gather3A_359 = arith.constant 2 : i32
      %gather3A_360 = arith.constant 0 : i32
      %gather3A_361 = arith.constant 0 : i32
      %gather3A_362 = tpu.memref_slice %arg6[%gather3A_359, %gather3A_360, %gather3A_361] : memref<8x64x128xf32, #tpu.memory_space<vmem>> -> memref<1x64x128xf32, #tpu.memory_space<vmem>>
      %gather3A_363 = tpu.memref_squeeze %gather3A_362 : memref<1x64x128xf32, #tpu.memory_space<vmem>> -> memref<64x128xf32, #tpu.memory_space<vmem>>
      %gather3A_364 = tpu.vector_load_idx %gather3A_363[%add3A_358, %broadcast_in_dim3A_354] : memref<64x128xf32, #tpu.memory_space<vmem>>[vector<16xi32>, vector<16xi32>], vector<16xf32>,
      %swap3A_365 = arith.constant 2 : i32
      %swap3A_366 = arith.index_cast %swap3A_365 : i32 to index
      %swap3A_367 = arith.constant 0 : index
      %swap3A_368 = tpu.vector_load %arg7[%swap3A_366, %swap3A_367] {strides = array<i32>} : memref<8x64xf32, #tpu.memory_space<vmem>>, vector<16xf32>,
      tpu.vector_store %arg7[%swap3A_366, %swap3A_367], %gather3A_364 {strides = array<i32>} : memref<8x64xf32, #tpu.memory_space<vmem>>, vector<16xf32>,
      %iota3A_369 = tpu.iota {dimensions = array<i32: 0>} : vector<16xi32>
      %add3A_370 = arith.constant 16 : i32
      %add3A_371 = vector.broadcast %add3A_370 : i32 to vector<16xi32>
      %add3A_372 = arith.addi %iota3A_369, %add3A_371 : vector<16xi32>
      %gather3A_373 = arith.constant 2 : i32
      %gather3A_374 = arith.constant 0 : i32
      %gather3A_375 = arith.constant 0 : i32
      %gather3A_376 = tpu.memref_slice %arg6[%gather3A_373, %gather3A_374, %gather3A_375] : memref<8x64x128xf32, #tpu.memory_space<vmem>> -> memref<1x64x128xf32, #tpu.memory_space<vmem>>
      %gather3A_377 = tpu.memref_squeeze %gather3A_376 : memref<1x64x128xf32, #tpu.memory_space<vmem>> -> memref<64x128xf32, #tpu.memory_space<vmem>>
      %gather3A_378 = tpu.vector_load_idx %gather3A_377[%add3A_372, %broadcast_in_dim3A_354] : memref<64x128xf32, #tpu.memory_space<vmem>>[vector<16xi32>, vector<16xi32>], vector<16xf32>,
      %swap3A_379 = arith.constant 2 : i32
      %swap3A_380 = arith.index_cast %swap3A_379 : i32 to index
      %swap3A_381 = arith.constant 16 : index
      %swap3A_382 = tpu.vector_load %arg7[%swap3A_380, %swap3A_381] {strides = array<i32>} : memref<8x64xf32, #tpu.memory_space<vmem>>, vector<16xf32>,
      tpu.vector_store %arg7[%swap3A_380, %swap3A_381], %gather3A_378 {strides = array<i32>} : memref<8x64xf32, #tpu.memory_space<vmem>>, vector<16xf32>,
      %iota3A_383 = tpu.iota {dimensions = array<i32: 0>} : vector<16xi32>
      %add3A_384 = arith.constant 32 : i32
      %add3A_385 = vector.broadcast %add3A_384 : i32 to vector<16xi32>
      %add3A_386 = arith.addi %iota3A_383, %add3A_385 : vector<16xi32>
      %gather3A_387 = arith.constant 2 : i32
      %gather3A_388 = arith.constant 0 : i32
      %gather3A_389 = arith.constant 0 : i32
      %gather3A_390 = tpu.memref_slice %arg6[%gather3A_387, %gather3A_388, %gather3A_389] : memref<8x64x128xf32, #tpu.memory_space<vmem>> -> memref<1x64x128xf32, #tpu.memory_space<vmem>>
      %gather3A_391 = tpu.memref_squeeze %gather3A_390 : memref<1x64x128xf32, #tpu.memory_space<vmem>> -> memref<64x128xf32, #tpu.memory_space<vmem>>
      %gather3A_392 = tpu.vector_load_idx %gather3A_391[%add3A_386, %broadcast_in_dim3A_354] : memref<64x128xf32, #tpu.memory_space<vmem>>[vector<16xi32>, vector<16xi32>], vector<16xf32>,
      %swap3A_393 = arith.constant 2 : i32
      %swap3A_394 = arith.index_cast %swap3A_393 : i32 to index
      %swap3A_395 = arith.constant 32 : index
      %swap3A_396 = tpu.vector_load %arg7[%swap3A_394, %swap3A_395] {strides = array<i32>} : memref<8x64xf32, #tpu.memory_space<vmem>>, vector<16xf32>,
      tpu.vector_store %arg7[%swap3A_394, %swap3A_395], %gather3A_392 {strides = array<i32>} : memref<8x64xf32, #tpu.memory_space<vmem>>, vector<16xf32>,
      %iota3A_397 = tpu.iota {dimensions = array<i32: 0>} : vector<16xi32>
      %add3A_398 = arith.constant 48 : i32
      %add3A_399 = vector.broadcast %add3A_398 : i32 to vector<16xi32>
      %add3A_400 = arith.addi %iota3A_397, %add3A_399 : vector<16xi32>
      %gather3A_401 = arith.constant 2 : i32
      %gather3A_402 = arith.constant 0 : i32
      %gather3A_403 = arith.constant 0 : i32
      %gather3A_404 = tpu.memref_slice %arg6[%gather3A_401, %gather3A_402, %gather3A_403] : memref<8x64x128xf32, #tpu.memory_space<vmem>> -> memref<1x64x128xf32, #tpu.memory_space<vmem>>
      %gather3A_405 = tpu.memref_squeeze %gather3A_404 : memref<1x64x128xf32, #tpu.memory_space<vmem>> -> memref<64x128xf32, #tpu.memory_space<vmem>>
      %gather3A_406 = tpu.vector_load_idx %gather3A_405[%add3A_400, %broadcast_in_dim3A_354] : memref<64x128xf32, #tpu.memory_space<vmem>>[vector<16xi32>, vector<16xi32>], vector<16xf32>,
      %swap3A_407 = arith.constant 2 : i32
      %swap3A_408 = arith.index_cast %swap3A_407 : i32 to index
      %swap3A_409 = arith.constant 48 : index
      %swap3A_410 = tpu.vector_load %arg7[%swap3A_408, %swap3A_409] {strides = array<i32>} : memref<8x64xf32, #tpu.memory_space<vmem>>, vector<16xf32>,
      tpu.vector_store %arg7[%swap3A_408, %swap3A_409], %gather3A_406 {strides = array<i32>} : memref<8x64xf32, #tpu.memory_space<vmem>>, vector<16xf32>,
      %slice3A_411 = vector.extract_strided_slice %and3A_10 {offsets = [3], sizes = [1], strides = [1]} : vector<16xi32> to vector<1xi32>
      %squeeze3A_412 = vector.extract %slice3A_411[0] : i32 from vector<1xi32>
      %broadcast_in_dim3A_413 = vector.broadcast %squeeze3A_412 : i32 to vector<16xi32>
      %iota3A_414 = tpu.iota {dimensions = array<i32: 0>} : vector<16xi32>
      %add3A_415 = arith.constant 0 : i32
      %add3A_416 = vector.broadcast %add3A_415 : i32 to vector<16xi32>
      %add3A_417 = arith.addi %iota3A_414, %add3A_416 : vector<16xi32>
      %gather3A_418 = arith.constant 3 : i32
      %gather3A_419 = arith.constant 0 : i32
      %gather3A_420 = arith.constant 0 : i32
      %gather3A_421 = tpu.memref_slice %arg6[%gather3A_418, %gather3A_419, %gather3A_420] : memref<8x64x128xf32, #tpu.memory_space<vmem>> -> memref<1x64x128xf32, #tpu.memory_space<vmem>>
      %gather3A_422 = tpu.memref_squeeze %gather3A_421 : memref<1x64x128xf32, #tpu.memory_space<vmem>> -> memref<64x128xf32, #tpu.memory_space<vmem>>
      %gather3A_423 = tpu.vector_load_idx %gather3A_422[%add3A_417, %broadcast_in_dim3A_413] : memref<64x128xf32, #tpu.memory_space<vmem>>[vector<16xi32>, vector<16xi32>], vector<16xf32>,
      %swap3A_424 = arith.constant 3 : i32
      %swap3A_425 = arith.index_cast %swap3A_424 : i32 to index
      %swap3A_426 = arith.constant 0 : index
      %swap3A_427 = tpu.vector_load %arg7[%swap3A_425, %swap3A_426] {strides = array<i32>} : memref<8x64xf32, #tpu.memory_space<vmem>>, vector<16xf32>,
      tpu.vector_store %arg7[%swap3A_425, %swap3A_426], %gather3A_423 {strides = array<i32>} : memref<8x64xf32, #tpu.memory_space<vmem>>, vector<16xf32>,
      %iota3A_428 = tpu.iota {dimensions = array<i32: 0>} : vector<16xi32>
      %add3A_429 = arith.constant 16 : i32
      %add3A_430 = vector.broadcast %add3A_429 : i32 to vector<16xi32>
      %add3A_431 = arith.addi %iota3A_428, %add3A_430 : vector<16xi32>
      %gather3A_432 = arith.constant 3 : i32
      %gather3A_433 = arith.constant 0 : i32
      %gather3A_434 = arith.constant 0 : i32
      %gather3A_435 = tpu.memref_slice %arg6[%gather3A_432, %gather3A_433, %gather3A_434] : memref<8x64x128xf32, #tpu.memory_space<vmem>> -> memref<1x64x128xf32, #tpu.memory_space<vmem>>
      %gather3A_436 = tpu.memref_squeeze %gather3A_435 : memref<1x64x128xf32, #tpu.memory_space<vmem>> -> memref<64x128xf32, #tpu.memory_space<vmem>>
      %gather3A_437 = tpu.vector_load_idx %gather3A_436[%add3A_431, %broadcast_in_dim3A_413] : memref<64x128xf32, #tpu.memory_space<vmem>>[vector<16xi32>, vector<16xi32>], vector<16xf32>,
      %swap3A_438 = arith.constant 3 : i32
      %swap3A_439 = arith.index_cast %swap3A_438 : i32 to index
      %swap3A_440 = arith.constant 16 : index
      %swap3A_441 = tpu.vector_load %arg7[%swap3A_439, %swap3A_440] {strides = array<i32>} : memref<8x64xf32, #tpu.memory_space<vmem>>, vector<16xf32>,
      tpu.vector_store %arg7[%swap3A_439, %swap3A_440], %gather3A_437 {strides = array<i32>} : memref<8x64xf32, #tpu.memory_space<vmem>>, vector<16xf32>,
      %iota3A_442 = tpu.iota {dimensions = array<i32: 0>} : vector<16xi32>
      %add3A_443 = arith.constant 32 : i32
      %add3A_444 = vector.broadcast %add3A_443 : i32 to vector<16xi32>
      %add3A_445 = arith.addi %iota3A_442, %add3A_444 : vector<16xi32>
      %gather3A_446 = arith.constant 3 : i32
      %gather3A_447 = arith.constant 0 : i32
      %gather3A_448 = arith.constant 0 : i32
      %gather3A_449 = tpu.memref_slice %arg6[%gather3A_446, %gather3A_447, %gather3A_448] : memref<8x64x128xf32, #tpu.memory_space<vmem>> -> memref<1x64x128xf32, #tpu.memory_space<vmem>>
      %gather3A_450 = tpu.memref_squeeze %gather3A_449 : memref<1x64x128xf32, #tpu.memory_space<vmem>> -> memref<64x128xf32, #tpu.memory_space<vmem>>
      %gather3A_451 = tpu.vector_load_idx %gather3A_450[%add3A_445, %broadcast_in_dim3A_413] : memref<64x128xf32, #tpu.memory_space<vmem>>[vector<16xi32>, vector<16xi32>], vector<16xf32>,
      %swap3A_452 = arith.constant 3 : i32
      %swap3A_453 = arith.index_cast %swap3A_452 : i32 to index
      %swap3A_454 = arith.constant 32 : index
      %swap3A_455 = tpu.vector_load %arg7[%swap3A_453, %swap3A_454] {strides = array<i32>} : memref<8x64xf32, #tpu.memory_space<vmem>>, vector<16xf32>,
      tpu.vector_store %arg7[%swap3A_453, %swap3A_454], %gather3A_451 {strides = array<i32>} : memref<8x64xf32, #tpu.memory_space<vmem>>, vector<16xf32>,
      %iota3A_456 = tpu.iota {dimensions = array<i32: 0>} : vector<16xi32>
      %add3A_457 = arith.constant 48 : i32
      %add3A_458 = vector.broadcast %add3A_457 : i32 to vector<16xi32>
      %add3A_459 = arith.addi %iota3A_456, %add3A_458 : vector<16xi32>
      %gather3A_460 = arith.constant 3 : i32
      %gather3A_461 = arith.constant 0 : i32
      %gather3A_462 = arith.constant 0 : i32
      %gather3A_463 = tpu.memref_slice %arg6[%gather3A_460, %gather3A_461, %gather3A_462] : memref<8x64x128xf32, #tpu.memory_space<vmem>> -> memref<1x64x128xf32, #tpu.memory_space<vmem>>
      %gather3A_464 = tpu.memref_squeeze %gather3A_463 : memref<1x64x128xf32, #tpu.memory_space<vmem>> -> memref<64x128xf32, #tpu.memory_space<vmem>>
      %gather3A_465 = tpu.vector_load_idx %gather3A_464[%add3A_459, %broadcast_in_dim3A_413] : memref<64x128xf32, #tpu.memory_space<vmem>>[vector<16xi32>, vector<16xi32>], vector<16xf32>,
      %swap3A_466 = arith.constant 3 : i32
      %swap3A_467 = arith.index_cast %swap3A_466 : i32 to index
      %swap3A_468 = arith.constant 48 : index
      %swap3A_469 = tpu.vector_load %arg7[%swap3A_467, %swap3A_468] {strides = array<i32>} : memref<8x64xf32, #tpu.memory_space<vmem>>, vector<16xf32>,
      tpu.vector_store %arg7[%swap3A_467, %swap3A_468], %gather3A_465 {strides = array<i32>} : memref<8x64xf32, #tpu.memory_space<vmem>>, vector<16xf32>,
      %slice3A_470 = vector.extract_strided_slice %and3A_10 {offsets = [4], sizes = [1], strides = [1]} : vector<16xi32> to vector<1xi32>
      %squeeze3A_471 = vector.extract %slice3A_470[0] : i32 from vector<1xi32>
      %broadcast_in_dim3A_472 = vector.broadcast %squeeze3A_471 : i32 to vector<16xi32>
      %iota3A_473 = tpu.iota {dimensions = array<i32: 0>} : vector<16xi32>
      %add3A_474 = arith.constant 0 : i32
      %add3A_475 = vector.broadcast %add3A_474 : i32 to vector<16xi32>
      %add3A_476 = arith.addi %iota3A_473, %add3A_475 : vector<16xi32>
      %gather3A_477 = arith.constant 4 : i32
      %gather3A_478 = arith.constant 0 : i32
      %gather3A_479 = arith.constant 0 : i32
      %gather3A_480 = tpu.memref_slice %arg6[%gather3A_477, %gather3A_478, %gather3A_479] : memref<8x64x128xf32, #tpu.memory_space<vmem>> -> memref<1x64x128xf32, #tpu.memory_space<vmem>>
      %gather3A_481 = tpu.memref_squeeze %gather3A_480 : memref<1x64x128xf32, #tpu.memory_space<vmem>> -> memref<64x128xf32, #tpu.memory_space<vmem>>
      %gather3A_482 = tpu.vector_load_idx %gather3A_481[%add3A_476, %broadcast_in_dim3A_472] : memref<64x128xf32, #tpu.memory_space<vmem>>[vector<16xi32>, vector<16xi32>], vector<16xf32>,
      %swap3A_483 = arith.constant 4 : i32
      %swap3A_484 = arith.index_cast %swap3A_483 : i32 to index
      %swap3A_485 = arith.constant 0 : index
      %swap3A_486 = tpu.vector_load %arg7[%swap3A_484, %swap3A_485] {strides = array<i32>} : memref<8x64xf32, #tpu.memory_space<vmem>>, vector<16xf32>,
      tpu.vector_store %arg7[%swap3A_484, %swap3A_485], %gather3A_482 {strides = array<i32>} : memref<8x64xf32, #tpu.memory_space<vmem>>, vector<16xf32>,
      %iota3A_487 = tpu.iota {dimensions = array<i32: 0>} : vector<16xi32>
      %add3A_488 = arith.constant 16 : i32
      %add3A_489 = vector.broadcast %add3A_488 : i32 to vector<16xi32>
      %add3A_490 = arith.addi %iota3A_487, %add3A_489 : vector<16xi32>
      %gather3A_491 = arith.constant 4 : i32
      %gather3A_492 = arith.constant 0 : i32
      %gather3A_493 = arith.constant 0 : i32
      %gather3A_494 = tpu.memref_slice %arg6[%gather3A_491, %gather3A_492, %gather3A_493] : memref<8x64x128xf32, #tpu.memory_space<vmem>> -> memref<1x64x128xf32, #tpu.memory_space<vmem>>
      %gather3A_495 = tpu.memref_squeeze %gather3A_494 : memref<1x64x128xf32, #tpu.memory_space<vmem>> -> memref<64x128xf32, #tpu.memory_space<vmem>>
      %gather3A_496 = tpu.vector_load_idx %gather3A_495[%add3A_490, %broadcast_in_dim3A_472] : memref<64x128xf32, #tpu.memory_space<vmem>>[vector<16xi32>, vector<16xi32>], vector<16xf32>,
      %swap3A_497 = arith.constant 4 : i32
      %swap3A_498 = arith.index_cast %swap3A_497 : i32 to index
      %swap3A_499 = arith.constant 16 : index
      %swap3A_500 = tpu.vector_load %arg7[%swap3A_498, %swap3A_499] {strides = array<i32>} : memref<8x64xf32, #tpu.memory_space<vmem>>, vector<16xf32>,
      tpu.vector_store %arg7[%swap3A_498, %swap3A_499], %gather3A_496 {strides = array<i32>} : memref<8x64xf32, #tpu.memory_space<vmem>>, vector<16xf32>,
      %iota3A_501 = tpu.iota {dimensions = array<i32: 0>} : vector<16xi32>
      %add3A_502 = arith.constant 32 : i32
      %add3A_503 = vector.broadcast %add3A_502 : i32 to vector<16xi32>
      %add3A_504 = arith.addi %iota3A_501, %add3A_503 : vector<16xi32>
      %gather3A_505 = arith.constant 4 : i32
      %gather3A_506 = arith.constant 0 : i32
      %gather3A_507 = arith.constant 0 : i32
      %gather3A_508 = tpu.memref_slice %arg6[%gather3A_505, %gather3A_506, %gather3A_507] : memref<8x64x128xf32, #tpu.memory_space<vmem>> -> memref<1x64x128xf32, #tpu.memory_space<vmem>>
      %gather3A_509 = tpu.memref_squeeze %gather3A_508 : memref<1x64x128xf32, #tpu.memory_space<vmem>> -> memref<64x128xf32, #tpu.memory_space<vmem>>
      %gather3A_510 = tpu.vector_load_idx %gather3A_509[%add3A_504, %broadcast_in_dim3A_472] : memref<64x128xf32, #tpu.memory_space<vmem>>[vector<16xi32>, vector<16xi32>], vector<16xf32>,
      %swap3A_511 = arith.constant 4 : i32
      %swap3A_512 = arith.index_cast %swap3A_511 : i32 to index
      %swap3A_513 = arith.constant 32 : index
      %swap3A_514 = tpu.vector_load %arg7[%swap3A_512, %swap3A_513] {strides = array<i32>} : memref<8x64xf32, #tpu.memory_space<vmem>>, vector<16xf32>,
      tpu.vector_store %arg7[%swap3A_512, %swap3A_513], %gather3A_510 {strides = array<i32>} : memref<8x64xf32, #tpu.memory_space<vmem>>, vector<16xf32>,
      %iota3A_515 = tpu.iota {dimensions = array<i32: 0>} : vector<16xi32>
      %add3A_516 = arith.constant 48 : i32
      %add3A_517 = vector.broadcast %add3A_516 : i32 to vector<16xi32>
      %add3A_518 = arith.addi %iota3A_515, %add3A_517 : vector<16xi32>
      %gather3A_519 = arith.constant 4 : i32
      %gather3A_520 = arith.constant 0 : i32
      %gather3A_521 = arith.constant 0 : i32
      %gather3A_522 = tpu.memref_slice %arg6[%gather3A_519, %gather3A_520, %gather3A_521] : memref<8x64x128xf32, #tpu.memory_space<vmem>> -> memref<1x64x128xf32, #tpu.memory_space<vmem>>
      %gather3A_523 = tpu.memref_squeeze %gather3A_522 : memref<1x64x128xf32, #tpu.memory_space<vmem>> -> memref<64x128xf32, #tpu.memory_space<vmem>>
      %gather3A_524 = tpu.vector_load_idx %gather3A_523[%add3A_518, %broadcast_in_dim3A_472] : memref<64x128xf32, #tpu.memory_space<vmem>>[vector<16xi32>, vector<16xi32>], vector<16xf32>,
      %swap3A_525 = arith.constant 4 : i32
      %swap3A_526 = arith.index_cast %swap3A_525 : i32 to index
      %swap3A_527 = arith.constant 48 : index
      %swap3A_528 = tpu.vector_load %arg7[%swap3A_526, %swap3A_527] {strides = array<i32>} : memref<8x64xf32, #tpu.memory_space<vmem>>, vector<16xf32>,
      tpu.vector_store %arg7[%swap3A_526, %swap3A_527], %gather3A_524 {strides = array<i32>} : memref<8x64xf32, #tpu.memory_space<vmem>>, vector<16xf32>,
      %slice3A_529 = vector.extract_strided_slice %and3A_10 {offsets = [5], sizes = [1], strides = [1]} : vector<16xi32> to vector<1xi32>
      %squeeze3A_530 = vector.extract %slice3A_529[0] : i32 from vector<1xi32>
      %broadcast_in_dim3A_531 = vector.broadcast %squeeze3A_530 : i32 to vector<16xi32>
      %iota3A_532 = tpu.iota {dimensions = array<i32: 0>} : vector<16xi32>
      %add3A_533 = arith.constant 0 : i32
      %add3A_534 = vector.broadcast %add3A_533 : i32 to vector<16xi32>
      %add3A_535 = arith.addi %iota3A_532, %add3A_534 : vector<16xi32>
      %gather3A_536 = arith.constant 5 : i32
      %gather3A_537 = arith.constant 0 : i32
      %gather3A_538 = arith.constant 0 : i32
      %gather3A_539 = tpu.memref_slice %arg6[%gather3A_536, %gather3A_537, %gather3A_538] : memref<8x64x128xf32, #tpu.memory_space<vmem>> -> memref<1x64x128xf32, #tpu.memory_space<vmem>>
      %gather3A_540 = tpu.memref_squeeze %gather3A_539 : memref<1x64x128xf32, #tpu.memory_space<vmem>> -> memref<64x128xf32, #tpu.memory_space<vmem>>
      %gather3A_541 = tpu.vector_load_idx %gather3A_540[%add3A_535, %broadcast_in_dim3A_531] : memref<64x128xf32, #tpu.memory_space<vmem>>[vector<16xi32>, vector<16xi32>], vector<16xf32>,
      %swap3A_542 = arith.constant 5 : i32
      %swap3A_543 = arith.index_cast %swap3A_542 : i32 to index
      %swap3A_544 = arith.constant 0 : index
      %swap3A_545 = tpu.vector_load %arg7[%swap3A_543, %swap3A_544] {strides = array<i32>} : memref<8x64xf32, #tpu.memory_space<vmem>>, vector<16xf32>,
      tpu.vector_store %arg7[%swap3A_543, %swap3A_544], %gather3A_541 {strides = array<i32>} : memref<8x64xf32, #tpu.memory_space<vmem>>, vector<16xf32>,
      %iota3A_546 = tpu.iota {dimensions = array<i32: 0>} : vector<16xi32>
      %add3A_547 = arith.constant 16 : i32
      %add3A_548 = vector.broadcast %add3A_547 : i32 to vector<16xi32>
      %add3A_549 = arith.addi %iota3A_546, %add3A_548 : vector<16xi32>
      %gather3A_550 = arith.constant 5 : i32
      %gather3A_551 = arith.constant 0 : i32
      %gather3A_552 = arith.constant 0 : i32
      %gather3A_553 = tpu.memref_slice %arg6[%gather3A_550, %gather3A_551, %gather3A_552] : memref<8x64x128xf32, #tpu.memory_space<vmem>> -> memref<1x64x128xf32, #tpu.memory_space<vmem>>
      %gather3A_554 = tpu.memref_squeeze %gather3A_553 : memref<1x64x128xf32, #tpu.memory_space<vmem>> -> memref<64x128xf32, #tpu.memory_space<vmem>>
      %gather3A_555 = tpu.vector_load_idx %gather3A_554[%add3A_549, %broadcast_in_dim3A_531] : memref<64x128xf32, #tpu.memory_space<vmem>>[vector<16xi32>, vector<16xi32>], vector<16xf32>,
      %swap3A_556 = arith.constant 5 : i32
      %swap3A_557 = arith.index_cast %swap3A_556 : i32 to index
      %swap3A_558 = arith.constant 16 : index
      %swap3A_559 = tpu.vector_load %arg7[%swap3A_557, %swap3A_558] {strides = array<i32>} : memref<8x64xf32, #tpu.memory_space<vmem>>, vector<16xf32>,
      tpu.vector_store %arg7[%swap3A_557, %swap3A_558], %gather3A_555 {strides = array<i32>} : memref<8x64xf32, #tpu.memory_space<vmem>>, vector<16xf32>,
      %iota3A_560 = tpu.iota {dimensions = array<i32: 0>} : vector<16xi32>
      %add3A_561 = arith.constant 32 : i32
      %add3A_562 = vector.broadcast %add3A_561 : i32 to vector<16xi32>
      %add3A_563 = arith.addi %iota3A_560, %add3A_562 : vector<16xi32>
      %gather3A_564 = arith.constant 5 : i32
      %gather3A_565 = arith.constant 0 : i32
      %gather3A_566 = arith.constant 0 : i32
      %gather3A_567 = tpu.memref_slice %arg6[%gather3A_564, %gather3A_565, %gather3A_566] : memref<8x64x128xf32, #tpu.memory_space<vmem>> -> memref<1x64x128xf32, #tpu.memory_space<vmem>>
      %gather3A_568 = tpu.memref_squeeze %gather3A_567 : memref<1x64x128xf32, #tpu.memory_space<vmem>> -> memref<64x128xf32, #tpu.memory_space<vmem>>
      %gather3A_569 = tpu.vector_load_idx %gather3A_568[%add3A_563, %broadcast_in_dim3A_531] : memref<64x128xf32, #tpu.memory_space<vmem>>[vector<16xi32>, vector<16xi32>], vector<16xf32>,
      %swap3A_570 = arith.constant 5 : i32
      %swap3A_571 = arith.index_cast %swap3A_570 : i32 to index
      %swap3A_572 = arith.constant 32 : index
      %swap3A_573 = tpu.vector_load %arg7[%swap3A_571, %swap3A_572] {strides = array<i32>} : memref<8x64xf32, #tpu.memory_space<vmem>>, vector<16xf32>,
      tpu.vector_store %arg7[%swap3A_571, %swap3A_572], %gather3A_569 {strides = array<i32>} : memref<8x64xf32, #tpu.memory_space<vmem>>, vector<16xf32>,
      %iota3A_574 = tpu.iota {dimensions = array<i32: 0>} : vector<16xi32>
      %add3A_575 = arith.constant 48 : i32
      %add3A_576 = vector.broadcast %add3A_575 : i32 to vector<16xi32>
      %add3A_577 = arith.addi %iota3A_574, %add3A_576 : vector<16xi32>
      %gather3A_578 = arith.constant 5 : i32
      %gather3A_579 = arith.constant 0 : i32
      %gather3A_580 = arith.constant 0 : i32
      %gather3A_581 = tpu.memref_slice %arg6[%gather3A_578, %gather3A_579, %gather3A_580] : memref<8x64x128xf32, #tpu.memory_space<vmem>> -> memref<1x64x128xf32, #tpu.memory_space<vmem>>
      %gather3A_582 = tpu.memref_squeeze %gather3A_581 : memref<1x64x128xf32, #tpu.memory_space<vmem>> -> memref<64x128xf32, #tpu.memory_space<vmem>>
      %gather3A_583 = tpu.vector_load_idx %gather3A_582[%add3A_577, %broadcast_in_dim3A_531] : memref<64x128xf32, #tpu.memory_space<vmem>>[vector<16xi32>, vector<16xi32>], vector<16xf32>,
      %swap3A_584 = arith.constant 5 : i32
      %swap3A_585 = arith.index_cast %swap3A_584 : i32 to index
      %swap3A_586 = arith.constant 48 : index
      %swap3A_587 = tpu.vector_load %arg7[%swap3A_585, %swap3A_586] {strides = array<i32>} : memref<8x64xf32, #tpu.memory_space<vmem>>, vector<16xf32>,
      tpu.vector_store %arg7[%swap3A_585, %swap3A_586], %gather3A_583 {strides = array<i32>} : memref<8x64xf32, #tpu.memory_space<vmem>>, vector<16xf32>,
      %slice3A_588 = vector.extract_strided_slice %and3A_10 {offsets = [6], sizes = [1], strides = [1]} : vector<16xi32> to vector<1xi32>
      %squeeze3A_589 = vector.extract %slice3A_588[0] : i32 from vector<1xi32>
      %broadcast_in_dim3A_590 = vector.broadcast %squeeze3A_589 : i32 to vector<16xi32>
      %iota3A_591 = tpu.iota {dimensions = array<i32: 0>} : vector<16xi32>
      %add3A_592 = arith.constant 0 : i32
      %add3A_593 = vector.broadcast %add3A_592 : i32 to vector<16xi32>
      %add3A_594 = arith.addi %iota3A_591, %add3A_593 : vector<16xi32>
      %gather3A_595 = arith.constant 6 : i32
      %gather3A_596 = arith.constant 0 : i32
      %gather3A_597 = arith.constant 0 : i32
      %gather3A_598 = tpu.memref_slice %arg6[%gather3A_595, %gather3A_596, %gather3A_597] : memref<8x64x128xf32, #tpu.memory_space<vmem>> -> memref<1x64x128xf32, #tpu.memory_space<vmem>>
      %gather3A_599 = tpu.memref_squeeze %gather3A_598 : memref<1x64x128xf32, #tpu.memory_space<vmem>> -> memref<64x128xf32, #tpu.memory_space<vmem>>
      %gather3A_600 = tpu.vector_load_idx %gather3A_599[%add3A_594, %broadcast_in_dim3A_590] : memref<64x128xf32, #tpu.memory_space<vmem>>[vector<16xi32>, vector<16xi32>], vector<16xf32>,
      %swap3A_601 = arith.constant 6 : i32
      %swap3A_602 = arith.index_cast %swap3A_601 : i32 to index
      %swap3A_603 = arith.constant 0 : index
      %swap3A_604 = tpu.vector_load %arg7[%swap3A_602, %swap3A_603] {strides = array<i32>} : memref<8x64xf32, #tpu.memory_space<vmem>>, vector<16xf32>,
      tpu.vector_store %arg7[%swap3A_602, %swap3A_603], %gather3A_600 {strides = array<i32>} : memref<8x64xf32, #tpu.memory_space<vmem>>, vector<16xf32>,
      %iota3A_605 = tpu.iota {dimensions = array<i32: 0>} : vector<16xi32>
      %add3A_606 = arith.constant 16 : i32
      %add3A_607 = vector.broadcast %add3A_606 : i32 to vector<16xi32>
      %add3A_608 = arith.addi %iota3A_605, %add3A_607 : vector<16xi32>
      %gather3A_609 = arith.constant 6 : i32
      %gather3A_610 = arith.constant 0 : i32
      %gather3A_611 = arith.constant 0 : i32
      %gather3A_612 = tpu.memref_slice %arg6[%gather3A_609, %gather3A_610, %gather3A_611] : memref<8x64x128xf32, #tpu.memory_space<vmem>> -> memref<1x64x128xf32, #tpu.memory_space<vmem>>
      %gather3A_613 = tpu.memref_squeeze %gather3A_612 : memref<1x64x128xf32, #tpu.memory_space<vmem>> -> memref<64x128xf32, #tpu.memory_space<vmem>>
      %gather3A_614 = tpu.vector_load_idx %gather3A_613[%add3A_608, %broadcast_in_dim3A_590] : memref<64x128xf32, #tpu.memory_space<vmem>>[vector<16xi32>, vector<16xi32>], vector<16xf32>,
      %swap3A_615 = arith.constant 6 : i32
      %swap3A_616 = arith.index_cast %swap3A_615 : i32 to index
      %swap3A_617 = arith.constant 16 : index
      %swap3A_618 = tpu.vector_load %arg7[%swap3A_616, %swap3A_617] {strides = array<i32>} : memref<8x64xf32, #tpu.memory_space<vmem>>, vector<16xf32>,
      tpu.vector_store %arg7[%swap3A_616, %swap3A_617], %gather3A_614 {strides = array<i32>} : memref<8x64xf32, #tpu.memory_space<vmem>>, vector<16xf32>,
      %iota3A_619 = tpu.iota {dimensions = array<i32: 0>} : vector<16xi32>
      %add3A_620 = arith.constant 32 : i32
      %add3A_621 = vector.broadcast %add3A_620 : i32 to vector<16xi32>
      %add3A_622 = arith.addi %iota3A_619, %add3A_621 : vector<16xi32>
      %gather3A_623 = arith.constant 6 : i32
      %gather3A_624 = arith.constant 0 : i32
      %gather3A_625 = arith.constant 0 : i32
      %gather3A_626 = tpu.memref_slice %arg6[%gather3A_623, %gather3A_624, %gather3A_625] : memref<8x64x128xf32, #tpu.memory_space<vmem>> -> memref<1x64x128xf32, #tpu.memory_space<vmem>>
      %gather3A_627 = tpu.memref_squeeze %gather3A_626 : memref<1x64x128xf32, #tpu.memory_space<vmem>> -> memref<64x128xf32, #tpu.memory_space<vmem>>
      %gather3A_628 = tpu.vector_load_idx %gather3A_627[%add3A_622, %broadcast_in_dim3A_590] : memref<64x128xf32, #tpu.memory_space<vmem>>[vector<16xi32>, vector<16xi32>], vector<16xf32>,
      %swap3A_629 = arith.constant 6 : i32
      %swap3A_630 = arith.index_cast %swap3A_629 : i32 to index
      %swap3A_631 = arith.constant 32 : index
      %swap3A_632 = tpu.vector_load %arg7[%swap3A_630, %swap3A_631] {strides = array<i32>} : memref<8x64xf32, #tpu.memory_space<vmem>>, vector<16xf32>,
      tpu.vector_store %arg7[%swap3A_630, %swap3A_631], %gather3A_628 {strides = array<i32>} : memref<8x64xf32, #tpu.memory_space<vmem>>, vector<16xf32>,
      %iota3A_633 = tpu.iota {dimensions = array<i32: 0>} : vector<16xi32>
      %add3A_634 = arith.constant 48 : i32
      %add3A_635 = vector.broadcast %add3A_634 : i32 to vector<16xi32>
      %add3A_636 = arith.addi %iota3A_633, %add3A_635 : vector<16xi32>
      %gather3A_637 = arith.constant 6 : i32
      %gather3A_638 = arith.constant 0 : i32
      %gather3A_639 = arith.constant 0 : i32
      %gather3A_640 = tpu.memref_slice %arg6[%gather3A_637, %gather3A_638, %gather3A_639] : memref<8x64x128xf32, #tpu.memory_space<vmem>> -> memref<1x64x128xf32, #tpu.memory_space<vmem>>
      %gather3A_641 = tpu.memref_squeeze %gather3A_640 : memref<1x64x128xf32, #tpu.memory_space<vmem>> -> memref<64x128xf32, #tpu.memory_space<vmem>>
      %gather3A_642 = tpu.vector_load_idx %gather3A_641[%add3A_636, %broadcast_in_dim3A_590] : memref<64x128xf32, #tpu.memory_space<vmem>>[vector<16xi32>, vector<16xi32>], vector<16xf32>,
      %swap3A_643 = arith.constant 6 : i32
      %swap3A_644 = arith.index_cast %swap3A_643 : i32 to index
      %swap3A_645 = arith.constant 48 : index
      %swap3A_646 = tpu.vector_load %arg7[%swap3A_644, %swap3A_645] {strides = array<i32>} : memref<8x64xf32, #tpu.memory_space<vmem>>, vector<16xf32>,
      tpu.vector_store %arg7[%swap3A_644, %swap3A_645], %gather3A_642 {strides = array<i32>} : memref<8x64xf32, #tpu.memory_space<vmem>>, vector<16xf32>,
      %slice3A_647 = vector.extract_strided_slice %and3A_10 {offsets = [7], sizes = [1], strides = [1]} : vector<16xi32> to vector<1xi32>
      %squeeze3A_648 = vector.extract %slice3A_647[0] : i32 from vector<1xi32>
      %broadcast_in_dim3A_649 = vector.broadcast %squeeze3A_648 : i32 to vector<16xi32>
      %iota3A_650 = tpu.iota {dimensions = array<i32: 0>} : vector<16xi32>
      %add3A_651 = arith.constant 0 : i32
      %add3A_652 = vector.broadcast %add3A_651 : i32 to vector<16xi32>
      %add3A_653 = arith.addi %iota3A_650, %add3A_652 : vector<16xi32>
      %gather3A_654 = arith.constant 7 : i32
      %gather3A_655 = arith.constant 0 : i32
      %gather3A_656 = arith.constant 0 : i32
      %gather3A_657 = tpu.memref_slice %arg6[%gather3A_654, %gather3A_655, %gather3A_656] : memref<8x64x128xf32, #tpu.memory_space<vmem>> -> memref<1x64x128xf32, #tpu.memory_space<vmem>>
      %gather3A_658 = tpu.memref_squeeze %gather3A_657 : memref<1x64x128xf32, #tpu.memory_space<vmem>> -> memref<64x128xf32, #tpu.memory_space<vmem>>
      %gather3A_659 = tpu.vector_load_idx %gather3A_658[%add3A_653, %broadcast_in_dim3A_649] : memref<64x128xf32, #tpu.memory_space<vmem>>[vector<16xi32>, vector<16xi32>], vector<16xf32>,
      %swap3A_660 = arith.constant 7 : i32
      %swap3A_661 = arith.index_cast %swap3A_660 : i32 to index
      %swap3A_662 = arith.constant 0 : index
      %swap3A_663 = tpu.vector_load %arg7[%swap3A_661, %swap3A_662] {strides = array<i32>} : memref<8x64xf32, #tpu.memory_space<vmem>>, vector<16xf32>,
      tpu.vector_store %arg7[%swap3A_661, %swap3A_662], %gather3A_659 {strides = array<i32>} : memref<8x64xf32, #tpu.memory_space<vmem>>, vector<16xf32>,
      %iota3A_664 = tpu.iota {dimensions = array<i32: 0>} : vector<16xi32>
      %add3A_665 = arith.constant 16 : i32
      %add3A_666 = vector.broadcast %add3A_665 : i32 to vector<16xi32>
      %add3A_667 = arith.addi %iota3A_664, %add3A_666 : vector<16xi32>
      %gather3A_668 = arith.constant 7 : i32
      %gather3A_669 = arith.constant 0 : i32
      %gather3A_670 = arith.constant 0 : i32
      %gather3A_671 = tpu.memref_slice %arg6[%gather3A_668, %gather3A_669, %gather3A_670] : memref<8x64x128xf32, #tpu.memory_space<vmem>> -> memref<1x64x128xf32, #tpu.memory_space<vmem>>
      %gather3A_672 = tpu.memref_squeeze %gather3A_671 : memref<1x64x128xf32, #tpu.memory_space<vmem>> -> memref<64x128xf32, #tpu.memory_space<vmem>>
      %gather3A_673 = tpu.vector_load_idx %gather3A_672[%add3A_667, %broadcast_in_dim3A_649] : memref<64x128xf32, #tpu.memory_space<vmem>>[vector<16xi32>, vector<16xi32>], vector<16xf32>,
      %swap3A_674 = arith.constant 7 : i32
      %swap3A_675 = arith.index_cast %swap3A_674 : i32 to index
      %swap3A_676 = arith.constant 16 : index
      %swap3A_677 = tpu.vector_load %arg7[%swap3A_675, %swap3A_676] {strides = array<i32>} : memref<8x64xf32, #tpu.memory_space<vmem>>, vector<16xf32>,
      tpu.vector_store %arg7[%swap3A_675, %swap3A_676], %gather3A_673 {strides = array<i32>} : memref<8x64xf32, #tpu.memory_space<vmem>>, vector<16xf32>,
      %iota3A_678 = tpu.iota {dimensions = array<i32: 0>} : vector<16xi32>
      %add3A_679 = arith.constant 32 : i32
      %add3A_680 = vector.broadcast %add3A_679 : i32 to vector<16xi32>
      %add3A_681 = arith.addi %iota3A_678, %add3A_680 : vector<16xi32>
      %gather3A_682 = arith.constant 7 : i32
      %gather3A_683 = arith.constant 0 : i32
      %gather3A_684 = arith.constant 0 : i32
      %gather3A_685 = tpu.memref_slice %arg6[%gather3A_682, %gather3A_683, %gather3A_684] : memref<8x64x128xf32, #tpu.memory_space<vmem>> -> memref<1x64x128xf32, #tpu.memory_space<vmem>>
      %gather3A_686 = tpu.memref_squeeze %gather3A_685 : memref<1x64x128xf32, #tpu.memory_space<vmem>> -> memref<64x128xf32, #tpu.memory_space<vmem>>
      %gather3A_687 = tpu.vector_load_idx %gather3A_686[%add3A_681, %broadcast_in_dim3A_649] : memref<64x128xf32, #tpu.memory_space<vmem>>[vector<16xi32>, vector<16xi32>], vector<16xf32>,
      %swap3A_688 = arith.constant 7 : i32
      %swap3A_689 = arith.index_cast %swap3A_688 : i32 to index
      %swap3A_690 = arith.constant 32 : index
      %swap3A_691 = tpu.vector_load %arg7[%swap3A_689, %swap3A_690] {strides = array<i32>} : memref<8x64xf32, #tpu.memory_space<vmem>>, vector<16xf32>,
      tpu.vector_store %arg7[%swap3A_689, %swap3A_690], %gather3A_687 {strides = array<i32>} : memref<8x64xf32, #tpu.memory_space<vmem>>, vector<16xf32>,
      %iota3A_692 = tpu.iota {dimensions = array<i32: 0>} : vector<16xi32>
      %add3A_693 = arith.constant 48 : i32
      %add3A_694 = vector.broadcast %add3A_693 : i32 to vector<16xi32>
      %add3A_695 = arith.addi %iota3A_692, %add3A_694 : vector<16xi32>
      %gather3A_696 = arith.constant 7 : i32
      %gather3A_697 = arith.constant 0 : i32
      %gather3A_698 = arith.constant 0 : i32
      %gather3A_699 = tpu.memref_slice %arg6[%gather3A_696, %gather3A_697, %gather3A_698] : memref<8x64x128xf32, #tpu.memory_space<vmem>> -> memref<1x64x128xf32, #tpu.memory_space<vmem>>
      %gather3A_700 = tpu.memref_squeeze %gather3A_699 : memref<1x64x128xf32, #tpu.memory_space<vmem>> -> memref<64x128xf32, #tpu.memory_space<vmem>>
      %gather3A_701 = tpu.vector_load_idx %gather3A_700[%add3A_695, %broadcast_in_dim3A_649] : memref<64x128xf32, #tpu.memory_space<vmem>>[vector<16xi32>, vector<16xi32>], vector<16xf32>,
      %swap3A_702 = arith.constant 7 : i32
      %swap3A_703 = arith.index_cast %swap3A_702 : i32 to index
      %swap3A_704 = arith.constant 48 : index
      %swap3A_705 = tpu.vector_load %arg7[%swap3A_703, %swap3A_704] {strides = array<i32>} : memref<8x64xf32, #tpu.memory_space<vmem>>, vector<16xf32>,
      tpu.vector_store %arg7[%swap3A_703, %swap3A_704], %gather3A_701 {strides = array<i32>} : memref<8x64xf32, #tpu.memory_space<vmem>>, vector<16xf32>,
      "tpu.region"() ({
        %run_scoped3A = tpu.sem_alloc : memref<!tpu.dma_semaphore, #tpu.memory_space<semaphore_mem>>
        %dma_start3A_706 = arith.constant 0 : i32
        %dma_start3A_707 = tpu.memref_slice %arg4[%mul3A_4, %dma_start3A_706] : memref<128x64xf32, #tpu.memory_space<hbm>> -> memref<8x64xf32, #tpu.memory_space<hbm>>
        %dma_start3A_708 = arith.constant 0 : i32
        %dma_start3A_709 = tpu.memref_slice %arg4[%mul3A_4, %dma_start3A_708] : memref<128x64xf32, #tpu.memory_space<hbm>> -> memref<8x64xf32, #tpu.memory_space<hbm>>
        tpu.enqueue_dma source(%arg7 : memref<8x64xf32, #tpu.memory_space<vmem>>) target(%dma_start3A_709 : memref<8x64xf32, #tpu.memory_space<hbm>>) target_semaphore(%run_scoped3A : memref<!tpu.dma_semaphore, #tpu.memory_space<semaphore_mem>>)
        %dma_wait3A_710 = arith.constant 0 : i32
        %dma_wait3A_711 = tpu.memref_slice %arg4[%mul3A_4, %dma_wait3A_710] : memref<128x64xf32, #tpu.memory_space<hbm>> -> memref<8x64xf32, #tpu.memory_space<hbm>>
        %dma_wait3A_712 = arith.constant 0 : i32
        %dma_wait3A_713 = tpu.memref_slice %arg4[%mul3A_4, %dma_wait3A_712] : memref<128x64xf32, #tpu.memory_space<hbm>> -> memref<8x64xf32, #tpu.memory_space<hbm>>
        tpu.wait_dma2 semaphore(%run_scoped3A : memref<!tpu.dma_semaphore, #tpu.memory_space<semaphore_mem>>) src(%arg7 : memref<8x64xf32, #tpu.memory_space<vmem>>) dst(%dma_wait3A_713 : memref<8x64xf32, #tpu.memory_space<hbm>>)
        tpu.yield
      }) : () -> ()
    } else {
    }
    return
  }
}

</mosaic_0001>

<sc_bundles>
// kernel: kernel.3.cloned.1.call-start
scs
__scs_entry_jumppad:
0x0: {  	(pc) =	sbr.rel $0x88, $3  }
0x1: {  	(tag) =	ssettag $0x0;
	lr =	simm.s32 $0x1  }
0x2: {  	[smem:$0x3F9F] =	sst lr;
	_ =	strace $0xD0000000  }
0x3: {  	_ = 	snop  }
0x4: {  	_ = 	snop  }
0x5: {  	_ = 	snop  }
0x6: {  	_ = 	snop  }
0x7: {  	_ = 	snop  }
__scs_overlays_trampoline_lowered:
0x8: {  	[smem:$0x3FAE] =	sst s0  }
0x9: {  	[smem:$0x3FAF] =	sst s1  }
0xa: {  	[smem:$0x3FB0] =	sst s2  }
0xb: {  	[smem:$0x3FB1] =	sst s3  }
0xc: {  	[smem:$0x3FB2] =	sst s4  }
0xd: {  	[smem:$0x3FB3] =	sst s5  }
0xe: {  	[smem:$0x3FB4] =	sst s6  }
0xf: {  	[smem:$0x3FB5] =	sst s7  }
0x10: {  	[smem:$0x3FB6] =	sst s8  }
0x11: {  	[smem:$0x3FB7] =	sst s9;
	s0 =	simm.s32 @!p0 $0x0  }
0x12: {  	s1 =	sld [smem:$0x3F9D];
	s0 =	simm.s32 @p0 $0x1  }
0x13: {  	[smem:$0x3FB8] =	sst s0;
	s0 =	simm.s32 @!p1 $0x0  }
0x14: {  	s2 =	sld [smem:$0x3F9C];
	s0 =	simm.s32 @p1 $0x1  }
0x15: {  	[smem:$0x3FB9] =	sst s0;
	s0 =	simm.s32 @!p2 $0x0  }
0x16: {  	s3 =	sld [smem:$0x3FDB];
	s0 =	simm.s32 @p2 $0x1  }
0x17: {  	s4 =	simm.s32 $0x1BF5;
	[smem:$0x3FBB] =	sst s0  }
0x18: {  	s0 =	sld [smem:$0x3F9E];
	_ =	swait.ge [sflag:s4], $0x0  }
0x19: {  	s7 =	sld [smem:$0x3F9F]  }
0x1a: {  	s8 =	sadd.s32 $0xFFFFE003, lr  }
0x1b: {  	s9 =	sadd.s32 $0xFFFFFEF7, lr;
	s5 =	simm.s32 $0xFFFFFFFF;
	p2 =	slt.u32 s8, $0xFFFFF086  }
0x1c: {  	p1 =	slt.u32 s9, $0xF7A;
	s5 =	simm.s32 @!p2 $0x0  }
0x1d: {  	s5 =	simm.s32 @p1 $0x1;
	p0 =	seq.s32 s7, s2  }
0x1e: {  	s7 =	smul.u32 @!p0 $0xF7A, s2;
	p2 =	seq.s32 @!p0 s5, $0x0  }
0x1f: {  	s9 =	smul.u32 $0xF7A, s1;
	s8 =	simm.s32 @!p0 $0x1BF5;
	p2 =	por !p2, p0  }
0x20: {  	[sflag:s8] =	ssyncset.s32 @!p0 $0xFFFFF086;
	s6 =	sadd.s32 @!p0 s3, s7;
	s7 =	simm.s32 @!p0 $0x108  }
0x21: {  	s3 =	sadd.s32 s3, s9;
	s6 =	sadd.s32 @!p0 $0x88, s6;
	s7 =	simm.s32 @p2 $0x1082  }
0x22: {  	[simem:s7], [sflag:s8] =	dma.local @!p0 [hbm:s6], $0xF7A  }
0x23: {  	s9 =	sor.u32 $0xD0000000, s2;
	s6 =	simm.s32 $0x108;
	_ =	swait.ge @!p0 [sflag:s8], $0x0  }
0x24: {  	s3 =	sadd.s32 $0x88, s3;
	s6 =	simm.s32 @!p1 $0x1082;
	[sflag:s4] =	ssyncset.s32 $0xFFFFF086  }
0x25: {  	[simem:s6], [sflag:s4] =	dma.local [hbm:s3], $0xF7A  }
0x26: {  	[smem:$0x3F9F] =	sst s1;
	(tag) =	ssettag s2;
	_ =	strace s9  }
0x27: {  	s1 =	sld [smem:$0x3FAF]  }
0x28: {  	s2 =	sld [smem:$0x3FB0]  }
0x29: {  	s4 =	sld [smem:$0x3FB2]  }
0x2a: {  	p0 =	seq.s32 s5, $0x0;
	s5 =	sld [smem:$0x3FB3]  }
0x2b: {  	s6 =	sld [smem:$0x3FB4]  }
0x2c: {  	s7 =	sld [smem:$0x3FB5]  }
0x2d: {  	s3 =	simm.s32 $0x108;
	s8 =	sld [smem:$0x3FB6]  }
0x2e: {  	s3 =	simm.s32 @!p0 $0x1082;
	s9 =	sld [smem:$0x3FB7]  }
0x2f: {  	lr =	sadd.s32 s0, s3;
	s0 =	sld [smem:$0x3FAE]  }
0x30: {  	s3 =	sld [smem:$0x3FB1]  }
0x31: {  	[smem:$0x3FBA] =	sst s10  }
0x32: {  	s10 =	sld [smem:$0x3FB8];
	_ =	sdelay $0x3  }
0x33: {  	p0 =	seq.s32 s10, $0x1;
	s10 =	sld [smem:$0x3FBA];
	_ =	sdelay $0x3  }
0x34: {  	[smem:$0x3FBA] =	sst s10  }
0x35: {  	s10 =	sld [smem:$0x3FB9];
	_ =	sdelay $0x3  }
0x36: {  	p1 =	seq.s32 s10, $0x1;
	s10 =	sld [smem:$0x3FBA];
	_ =	sdelay $0x3  }
0x37: {  	[smem:$0x3FBA] =	sst s10  }
0x38: {  	s10 =	sld [smem:$0x3FBB]  }
0x39: {  	_ = 	snop;
	(pc) =	sbr.ind lr, $3  }
0x3a: {  	_ = 	snop  }
0x3b: {  	_ = 	snop  }
0x3c: {  	p2 =	seq.s32 s10, $0x1;
	s10 =	sld [smem:$0x3FBA]  }
0x3d: {  	_ =	shalt  }
0x3e: {  	_ =	shalt  }
0x3f: {  	_ =	shalt  }
0x40: {  	_ =	shalt  }
0x41: {  	_ =	shalt  }
0x42: {  	_ =	shalt  }
0x43: {  	_ =	shalt  }
0x44: {  	_ =	shalt  }
0x45: {  	_ =	shalt  }
0x46: {  	_ =	shalt  }
0x47: {  	_ =	shalt  }
0x48: {  	_ =	shalt  }
0x49: {  	_ =	shalt  }
0x4a: {  	_ =	shalt  }
0x4b: {  	_ =	shalt  }
0x4c: {  	_ =	shalt  }
0x4d: {  	_ =	shalt  }
0x4e: {  	_ =	shalt  }
0x4f: {  	_ =	shalt  }
0x50: {  	_ =	shalt  }
0x51: {  	_ =	shalt  }
0x52: {  	_ =	shalt  }
0x53: {  	_ =	shalt  }
0x54: {  	_ =	shalt  }
0x55: {  	_ =	shalt  }
0x56: {  	_ =	shalt  }
0x57: {  	_ =	shalt  }
0x58: {  	_ =	shalt  }
0x59: {  	_ =	shalt  }
0x5a: {  	_ =	shalt  }
0x5b: {  	_ =	shalt  }
0x5c: {  	_ =	shalt  }
0x5d: {  	_ =	shalt  }
0x5e: {  	_ =	shalt  }
0x5f: {  	_ =	shalt  }
0x60: {  	_ =	shalt  }
0x61: {  	_ =	shalt  }
0x62: {  	_ =	shalt  }
0x63: {  	_ =	shalt  }
0x64: {  	_ =	shalt  }
0x65: {  	_ =	shalt  }
0x66: {  	_ =	shalt  }
0x67: {  	_ =	shalt  }
0x68: {  	_ =	shalt  }
0x69: {  	_ =	shalt  }
0x6a: {  	_ =	shalt  }
0x6b: {  	_ =	shalt  }
0x6c: {  	_ =	shalt  }
0x6d: {  	_ =	shalt  }
0x6e: {  	_ =	shalt  }
0x6f: {  	_ =	shalt  }
0x70: {  	_ =	shalt  }
0x71: {  	_ =	shalt  }
0x72: {  	_ =	shalt  }
0x73: {  	_ =	shalt  }
0x74: {  	_ =	shalt  }
0x75: {  	_ =	shalt  }
0x76: {  	_ =	shalt  }
0x77: {  	_ =	shalt  }
0x78: {  	_ =	shalt  }
0x79: {  	_ =	shalt  }
0x7a: {  	_ =	shalt  }
0x7b: {  	_ =	shalt  }
0x7c: {  	_ =	shalt  }
0x7d: {  	_ =	shalt  }
0x7e: {  	_ =	shalt  }
0x7f: {  	_ =	shalt  }
0x80: {  	_ =	shalt  }
0x81: {  	_ =	shalt  }
0x82: {  	_ =	shalt  }
0x83: {  	_ =	shalt  }
0x84: {  	_ =	shalt  }
0x85: {  	_ =	shalt  }
0x86: {  	_ =	shalt  }
0x87: {  	_ =	shalt  }
.Lfunc_end0:
.L_simem_size_0:
called_computation_lowered:
.L_overlay_start_0:
0x88: {  	s2 =	sld [smem:$0x3FD9]  }
0x89: {  	s3 =	sld [smem:$0x3FFE];
	_ =	sdelay $0x1  }
0x8a: {  	s1 =	srdreg.scid  }
0x8b: {  	s0 =	sand.u32 $0x1, s1  }
0x8c: {  	s17 =	sshll.u32 s0, $0xA;
	s2 =	sadd.s32 s3, s2  }
0x8d: {  	s2 =	sadd.s32 s2, s17  }
0x8e: {  	[smem:$0x3FC6] =	sst s2  }
0x8f: {  	_ = 	snop  }
0x90: {  	s2 =	sld [smem:$0x3FC9]  }
0x91: {  	s18 =	sld [smem:$0x3FC8];
	(tm) =	ssettm $0x1  }
0x92: {  	s4 =	sld [smem:$0x3FFB];
	_ =	sdelay $0x3  }
0x93: {  	_ =	strace s4  }
0x94: {  	s4 =	sld [smem:$0x3FFC];
	_ =	sdelay $0x3  }
0x95: {  	_ =	strace s4  }
0x96: {  	s4 =	sld [smem:$0x3FFD];
	_ =	sdelay $0x3  }
0x97: {  	_ =	strace s4  }
0x98: {  	_ =	strace $0x8FFFFFFF  }
0x99: {  	s19 =	sld [smem:$0x3FDB];
	_ =	sdelay $0x1  }
0x9a: {  	s5 =	simm.s32 $_scs_section_size  }
0x9b: {  	s6 =	simm.s32 $_size__tile_overlayer_lowered;
	s7 =	simm.s32 $_tile_overlayer_lowered  }
0x9c: {  	s22 =	simm.s32 $0x1BFF;
	s21 =	sshll.u32 s7, $0x1;
	s4 =	sadd.s32 s5, s19  }
0x9d: {  	s8 =	simm.s32 $0x0;
	s20 =	sshll.u32 s6, $0x1;
	s6 =	sadd.s32 s21, s4  }
0x9e: {  	[timem:s8], [sflag:s22] =	dma.local [hbm:s6], s20  }
0x9f: {  	_ =	swait.ge [sflag:s22], s20  }
0xa0: {  	s5 =	ssub.s32 $0x0, s20;
	[sflag:s22] =	ssyncset.done $0x0  }
0xa1: {  	[sflag:s22] =	ssyncadd.s32 s5;
	_ =	sdelay $0x1  }
0xa2: {  	s23 =	simm.s32 $0x1B8B  }
0xa3: {  	_ =	swait.ge [sflag:s23], $0x1  }
0xa4: {  	[sflag:s23] =	ssyncset.done $0x0  }
0xa5: {  	s25 =	simm.s32 $0x1B8E;
	s24 =	sld [smem:$0x3FFE];
	[sflag:s23] =	ssyncadd.s32 $0xFFFFFFFF  }
0xa6: {  	s26 =	simm.s32 $execute0_lowered;
	[smem:$0x3FD2] =	sst s25  }
0xa7: {  	s6 =	sshll.u32 s26, $0x1;
	_ =	strace $0x80000046;
	[dreg:$0x1] =	wrdreg $0xFFFFFFFF  }
0xa8: {  	s28 =	simm.s32 $_size_execute0_lowered;
	s4 =	sadd.s32 s4, s6;
	[dreg:$0x0] =	wrdreg $0x0  }
0xa9: {  	s6 =	sshll.u32 s28, $0x1;
	[dreg:$0x2] =	wrdreg s4  }
0xaa: {  	[dreg:$0x3] =	wrdreg s6  }
0xab: {  	[dreg:$0x4] =	wrdreg $0xC0  }
0xac: {  	_ =	task [dreg:s8], $0x5FFFF  }
0xad: {  	[dreg:$0x1] =	wrdreg $0xFFFFFFFF  }
0xae: {  	[dreg:$0x0] =	wrdreg $0x60  }
0xaf: {  	[dreg:$0x2] =	wrdreg s2  }
0xb0: {  	[dreg:$0x3] =	wrdreg s18  }
0xb1: {  	[dreg:$0x4] =	wrdreg s24  }
0xb2: {  	[dreg:$0x5] =	wrdreg $0x9  }
0xb3: {  	_ =	task.clear_ibuf [dreg:s8], $0x6FFFF;
	_ =	strace $0x90000046  }
0xb4: {  	s29 =	simm.s32 $0x9;
	_ =	strace $0x80000048  }
0xb5: {  	_ =	swait.ge [sflag:s29], $0x1  }
0xb6: {  	[sflag:s29] =	ssyncadd.s32 $0xFFFFFFFF  }
0xb7: {  	_ =	strace $0x90000048  }
0xb8: {  	_ =	sfence  }
0xb9: {  	s30 =	sld [smem:$0x0];
	_ =	sdelay $0x2  }
0xba: {  	s31 =	sshll.u32 s1, $0xD;
	s1 =	sshrl.u32 s1, $0x2  }
0xbb: {  	s3 =	sand.u32 $0x4000, s31;
	s1 =	sadd.s32 s1, s30  }
0xbc: {  	s0 =	sor.u32 s3, s0;
	s1 =	sshll.u32 s1, $0x11  }
0xbd: {  	s0 =	sor.u32 s1, s0  }
0xbe: {  	s0 =	sadd.s32 $0x8F2B, s0  }
0xbf: {  	[sflag:s0] =	ssyncadd.remote.s32 $0x1  }
0xc0: {  	_ =	sfence.sel $0xFFFF  }
0xc1: {  	[dreg:$0x0] =	wrdreg $0xFFFFFFFF;
	(pc) =	sbr.abs _section_cstart, $3  }
0xc2: {  	[dreg:$0x1] =	wrdreg $0xFFFFFFFF  }
0xc3: {  	_ =	task.clear_ibuf [dreg:s8], $0x2FFFF;
	_ =	strace $0x9FFFFFFF  }
0xc4: {  	(tm) =	ssettm $0x7FFFFFFF  }
0xc5: {  	_ =	shalt  }
tec
execute0_lowered:
.L_overlay_start_1:
0x0: {  	(tag) =	ssettag $0x1  }
0x1: {  	s1 =	stileid.u32  }
0x2: {  	p0 =	sgt.u32 s1, $0x7  }
.Ltmp0:
0x3: {  	s2 =	rddreg [dreg:$0x0];
	(pc) =	sbr.rel @p0 .LBB2_4-.Ltmp0, $4  }
0x4: {  	s4 =	rddreg [dreg:$0x1]  }
0x5: {  	s17 =	rddreg [dreg:$0x2];
	s3 =	simm.s32 $0x0  }
0x6: {  	[smem:$0x7FF] =	sst s3  }
0x7: {  	s0 =	rddreg [dreg:$0x3];
	_ =	strace $0x80000047  }
0x8: {  	s5 =	srdreg.scid  }
0x9: {  	s29 =	sshll.u32 s1, $0x1;
	s18 =	sand.u32 $0x1, s5  }
0xa: {  	s19 =	sor.u32 s18, s29  }
0xb: {  	s5 =	sadd.s32 s4, s19;
	s4 =	simm.s32 $0x2  }
0xc: {  	[tilespmem:s3], [sflag:$0x2] =	stream.linear.gather [hbm4b:s5+s3], $0x8, $0x38;
	[tilespmem:$0x10480] =	vst v63  }
0xd: {  	_ =	swait.ge [sflag:s4], $0x8  }
0xe: {  	[sflag:s4] =	ssyncset.done $0x0  }
0xf: {  	[sflag:s4] =	ssyncadd.s32 $0xFFFFFFF8  }
0x10: {  	v0 =	vld [tilespmem:$0x0];
	_ =	sdelay $0x4  }
0x11: {  	v1 =	vand.u32 $0xFFFFFF80, v0  }
0x12: {  	v1 =	vadd.s32 s2, v1  }
0x13: {  	(v2sf) =	vpush v1, $0x0;
	_ =	sdelay $0x1  }
0x14: {  	(v2sf) =	vpush v1, $0x1;
	_ =	sdelay $0x1  }
0x15: {  	(v2sf) =	vpush v1, $0x2;
	_ =	sdelay $0x1  }
0x16: {  	(v2sf) =	vpush v1, $0x3;
	_ =	sdelay $0x1  }
0x17: {  	(v2sf) =	vpush v1, $0x4;
	_ =	sdelay $0x1  }
0x18: {  	(v2sf) =	vpush v1, $0x5;
	_ =	sdelay $0x1  }
0x19: {  	(v2sf) =	vpush v1, $0x6;
	_ =	sdelay $0x1  }
0x1a: {  	s6 =	simm.s32 $0x400;
	(v2sf) =	vpush v1, $0x7  }
0x1b: {  	s7 =	simm.s32 $0xC3800;
	s8 =	simm.s32 $0x80;
	s9 =	spop (v2sf)  }
0x1c: {  	[tilespmem:s8], [sflag:$0x1] =	stream.strided.gather [hbm4b:s9+s6], $0x2000, s7, s6, $0x38;
	[tilespmem:$0x10480] =	vst v63  }
0x1d: {  	s9 =	simm.s32 $0x2080;
	s10 =	spop (v2sf)  }
0x1e: {  	[tilespmem:s9], [sflag:$0x1] =	stream.strided.gather [hbm4b:s10+s6], $0x2000, s7, s6, $0x38;
	[tilespmem:$0x10480] =	vst v63  }
0x1f: {  	s11 =	spop (v2sf);
	s10 =	simm.s32 $0x4080  }
0x20: {  	[tilespmem:s10], [sflag:$0x1] =	stream.strided.gather [hbm4b:s11+s6], $0x2000, s7, s6, $0x38;
	[tilespmem:$0x10480] =	vst v63  }
0x21: {  	s12 =	spop (v2sf);
	s11 =	simm.s32 $0x6080  }
0x22: {  	[tilespmem:s11], [sflag:$0x1] =	stream.strided.gather [hbm4b:s12+s6], $0x2000, s7, s6, $0x38;
	[tilespmem:$0x10480] =	vst v63  }
0x23: {  	s13 =	spop (v2sf);
	s12 =	simm.s32 $0x8080  }
0x24: {  	[tilespmem:s12], [sflag:$0x1] =	stream.strided.gather [hbm4b:s13+s6], $0x2000, s7, s6, $0x38;
	[tilespmem:$0x10480] =	vst v63  }
0x25: {  	s14 =	spop (v2sf);
	s13 =	simm.s32 $0xA080  }
0x26: {  	[tilespmem:s13], [sflag:$0x1] =	stream.strided.gather [hbm4b:s14+s6], $0x2000, s7, s6, $0x38;
	[tilespmem:$0x10480] =	vst v63  }
0x27: {  	s15 =	spop (v2sf);
	s14 =	simm.s32 $0xC080  }
0x28: {  	[tilespmem:s14], [sflag:$0x1] =	stream.strided.gather [hbm4b:s15+s6], $0x2000, s7, s6, $0x38;
	[tilespmem:$0x10480] =	vst v63  }
0x29: {  	s16 =	simm.s32 $0x1;
	s20 =	spop (v2sf);
	s15 =	simm.s32 $0xE080  }
0x2a: {  	[tilespmem:s15], [sflag:$0x1] =	stream.strided.gather [hbm4b:s20+s6], $0x2000, s7, s6, $0x38;
	[tilespmem:$0x10480] =	vst v63  }
0x2b: {  	_ =	swait.ge [sflag:s16], $0x2000  }
0x2c: {  	[sflag:s16] =	ssyncset.done $0x0  }
0x2d: {  	[sflag:s16] =	ssyncadd.s32 $0xFFFFE000  }
0x2e: {  	_ =	swait.ge [sflag:s16], $0x2000  }
0x2f: {  	[sflag:s16] =	ssyncset.done $0x0  }
0x30: {  	[sflag:s16] =	ssyncadd.s32 $0xFFFFE000  }
0x31: {  	_ =	swait.ge [sflag:s16], $0x2000  }
0x32: {  	[sflag:s16] =	ssyncset.done $0x0  }
0x33: {  	[sflag:s16] =	ssyncadd.s32 $0xFFFFE000  }
0x34: {  	_ =	swait.ge [sflag:s16], $0x2000  }
0x35: {  	[sflag:s16] =	ssyncset.done $0x0  }
0x36: {  	[sflag:s16] =	ssyncadd.s32 $0xFFFFE000  }
0x37: {  	_ =	swait.ge [sflag:s16], $0x2000  }
0x38: {  	[sflag:s16] =	ssyncset.done $0x0  }
0x39: {  	[sflag:s16] =	ssyncadd.s32 $0xFFFFE000  }
0x3a: {  	_ =	swait.ge [sflag:s16], $0x2000  }
0x3b: {  	v4 =	vand.u32 $0x7F, v0;
	v1 =	vlaneseq.u32;
	[sflag:s16] =	ssyncset.done $0x0  }
0x3c: {  	v5 =	vbroadcast v4, $0x0;
	v0 =	vmul.u32 $0x80, v1;
	[sflag:s16] =	ssyncadd.s32 $0xFFFFE000  }
0x3d: {  	_ =	swait.ge [sflag:s16], $0x2000  }
0x3e: {  	v2 =	vor.u32 v0, v5;
	[sflag:s16] =	ssyncset.done $0x0  }
0x3f: {  	[sflag:s16] =	ssyncadd.s32 $0xFFFFE000  }
0x40: {  	_ =	swait.ge [sflag:s16], $0x2000  }
0x41: {  	[sflag:s16] =	ssyncset.done $0x0  }
0x42: {  	[sflag:s16] =	ssyncadd.s32 $0xFFFFE000  }
0x43: {  	v1 =	vor.u32 $0x800, v0;
	v2 =	vld.idx.msk [tilespmem:v2+s8+$0x0], $0xffff  }
0x44: {  	v3 =	vor.u32 v1, v5;
	_ =	sdelay $0x3  }
0x45: {  	[tilespmem:$0x10080] =	vst v2  }
0x46: {  	v2 =	vor.u32 $0x1000, v0;
	v3 =	vld.idx.msk [tilespmem:v3+s8+$0x0], $0xffff  }
0x47: {  	v6 =	vor.u32 v2, v5;
	_ =	sdelay $0x3  }
0x48: {  	[tilespmem:$0x10090] =	vst v3  }
0x49: {  	v3 =	vor.u32 $0x1800, v0;
	v6 =	vld.idx.msk [tilespmem:v6+s8+$0x0], $0xffff  }
0x4a: {  	v5 =	vor.u32 v3, v5;
	_ =	sdelay $0x3  }
0x4b: {  	v7 =	vbroadcast v4, $0x1;
	[tilespmem:$0x100A0] =	vst v6  }
0x4c: {  	v5 =	vld.idx.msk [tilespmem:v5+s8+$0x0], $0xffff  }
0x4d: {  	v32 =	vor.u32 v0, v7;
	_ =	sdelay $0x3  }
0x4e: {  	[tilespmem:$0x100B0] =	vst v5  }
0x4f: {  	v5 =	vld.idx.msk [tilespmem:v32+s9+$0x0], $0xffff  }
0x50: {  	v33 =	vor.u32 v1, v7;
	_ =	sdelay $0x3  }
0x51: {  	[tilespmem:$0x10100] =	vst v5  }
0x52: {  	v5 =	vld.idx.msk [tilespmem:v33+s9+$0x0], $0xffff  }
0x53: {  	v34 =	vor.u32 v2, v7;
	_ =	sdelay $0x3  }
0x54: {  	[tilespmem:$0x10110] =	vst v5  }
0x55: {  	v5 =	vld.idx.msk [tilespmem:v34+s9+$0x0], $0xffff  }
0x56: {  	v35 =	vor.u32 v3, v7;
	_ =	sdelay $0x3  }
0x57: {  	v36 =	vbroadcast v4, $0x2;
	[tilespmem:$0x10120] =	vst v5  }
0x58: {  	v5 =	vld.idx.msk [tilespmem:v35+s9+$0x0], $0xffff  }
0x59: {  	v37 =	vor.u32 v0, v36;
	_ =	sdelay $0x3  }
0x5a: {  	[tilespmem:$0x10130] =	vst v5  }
0x5b: {  	v5 =	vld.idx.msk [tilespmem:v37+s10+$0x0], $0xffff  }
0x5c: {  	v38 =	vor.u32 v1, v36;
	_ =	sdelay $0x3  }
0x5d: {  	[tilespmem:$0x10180] =	vst v5  }
0x5e: {  	v5 =	vld.idx.msk [tilespmem:v38+s10+$0x0], $0xffff  }
0x5f: {  	v39 =	vor.u32 v2, v36;
	_ =	sdelay $0x3  }
0x60: {  	[tilespmem:$0x10190] =	vst v5  }
0x61: {  	v5 =	vld.idx.msk [tilespmem:v39+s10+$0x0], $0xffff  }
0x62: {  	v40 =	vor.u32 v3, v36;
	_ =	sdelay $0x3  }
0x63: {  	v41 =	vbroadcast v4, $0x3;
	[tilespmem:$0x101A0] =	vst v5  }
0x64: {  	v5 =	vld.idx.msk [tilespmem:v40+s10+$0x0], $0xffff  }
0x65: {  	v42 =	vor.u32 v0, v41;
	_ =	sdelay $0x3  }
0x66: {  	[tilespmem:$0x101B0] =	vst v5  }
0x67: {  	v5 =	vld.idx.msk [tilespmem:v42+s11+$0x0], $0xffff  }
0x68: {  	v43 =	vor.u32 v1, v41;
	_ =	sdelay $0x3  }
0x69: {  	[tilespmem:$0x10200] =	vst v5  }
0x6a: {  	v5 =	vld.idx.msk [tilespmem:v43+s11+$0x0], $0xffff  }
0x6b: {  	v44 =	vor.u32 v2, v41;
	_ =	sdelay $0x3  }
0x6c: {  	[tilespmem:$0x10210] =	vst v5  }
0x6d: {  	v5 =	vld.idx.msk [tilespmem:v44+s11+$0x0], $0xffff  }
0x6e: {  	v45 =	vor.u32 v3, v41;
	_ =	sdelay $0x3  }
0x6f: {  	v46 =	vbroadcast v4, $0x4;
	[tilespmem:$0x10220] =	vst v5  }
0x70: {  	v5 =	vld.idx.msk [tilespmem:v45+s11+$0x0], $0xffff  }
0x71: {  	v47 =	vor.u32 v0, v46;
	_ =	sdelay $0x3  }
0x72: {  	[tilespmem:$0x10230] =	vst v5  }
0x73: {  	v5 =	vld.idx.msk [tilespmem:v47+s12+$0x0], $0xffff  }
0x74: {  	v48 =	vor.u32 v1, v46;
	_ =	sdelay $0x3  }
0x75: {  	[tilespmem:$0x10280] =	vst v5  }
0x76: {  	v5 =	vld.idx.msk [tilespmem:v48+s12+$0x0], $0xffff  }
0x77: {  	v49 =	vor.u32 v2, v46;
	_ =	sdelay $0x3  }
0x78: {  	[tilespmem:$0x10290] =	vst v5  }
0x79: {  	v5 =	vld.idx.msk [tilespmem:v49+s12+$0x0], $0xffff  }
0x7a: {  	v50 =	vor.u32 v3, v46;
	_ =	sdelay $0x3  }
0x7b: {  	v51 =	vbroadcast v4, $0x5;
	[tilespmem:$0x102A0] =	vst v5  }
0x7c: {  	v5 =	vld.idx.msk [tilespmem:v50+s12+$0x0], $0xffff  }
0x7d: {  	v52 =	vor.u32 v0, v51;
	_ =	sdelay $0x3  }
0x7e: {  	[tilespmem:$0x102B0] =	vst v5  }
0x7f: {  	v5 =	vld.idx.msk [tilespmem:v52+s13+$0x0], $0xffff  }
0x80: {  	v53 =	vor.u32 v1, v51;
	_ =	sdelay $0x3  }
0x81: {  	[tilespmem:$0x10300] =	vst v5  }
0x82: {  	v5 =	vld.idx.msk [tilespmem:v53+s13+$0x0], $0xffff  }
0x83: {  	v54 =	vor.u32 v2, v51;
	_ =	sdelay $0x3  }
0x84: {  	[tilespmem:$0x10310] =	vst v5  }
0x85: {  	v5 =	vld.idx.msk [tilespmem:v54+s13+$0x0], $0xffff  }
0x86: {  	v55 =	vor.u32 v3, v51;
	_ =	sdelay $0x3  }
0x87: {  	v56 =	vbroadcast v4, $0x6;
	[tilespmem:$0x10320] =	vst v5  }
0x88: {  	v5 =	vld.idx.msk [tilespmem:v55+s13+$0x0], $0xffff  }
0x89: {  	v57 =	vor.u32 v0, v56;
	_ =	sdelay $0x3  }
0x8a: {  	[tilespmem:$0x10330] =	vst v5  }
0x8b: {  	v5 =	vld.idx.msk [tilespmem:v57+s14+$0x0], $0xffff  }
0x8c: {  	v58 =	vor.u32 v1, v56;
	_ =	sdelay $0x3  }
0x8d: {  	[tilespmem:$0x10380] =	vst v5  }
0x8e: {  	v5 =	vld.idx.msk [tilespmem:v58+s14+$0x0], $0xffff  }
0x8f: {  	v59 =	vor.u32 v2, v56;
	_ =	sdelay $0x3  }
0x90: {  	[tilespmem:$0x10390] =	vst v5  }
0x91: {  	v5 =	vld.idx.msk [tilespmem:v59+s14+$0x0], $0xffff  }
0x92: {  	v60 =	vor.u32 v3, v56;
	_ =	sdelay $0x3  }
0x93: {  	v4 =	vbroadcast v4, $0x7;
	[tilespmem:$0x103A0] =	vst v5  }
0x94: {  	v5 =	vld.idx.msk [tilespmem:v60+s14+$0x0], $0xffff  }
0x95: {  	v61 =	vor.u32 v0, v4;
	_ =	sdelay $0x3  }
0x96: {  	[tilespmem:$0x103B0] =	vst v5  }
0x97: {  	v5 =	vld.idx.msk [tilespmem:v61+s15+$0x0], $0xffff  }
0x98: {  	v62 =	vor.u32 v1, v4;
	_ =	sdelay $0x3  }
0x99: {  	[tilespmem:$0x10400] =	vst v5  }
0x9a: {  	v5 =	vld.idx.msk [tilespmem:v62+s15+$0x0], $0xffff  }
0x9b: {  	v63 =	vor.u32 v2, v4;
	_ =	sdelay $0x3  }
0x9c: {  	[tilespmem:$0x10410] =	vst v5  }
0x9d: {  	v5 =	vld.idx.msk [tilespmem:v63+s15+$0x0], $0xffff  }
0x9e: {  	v4 =	vor.u32 v3, v4;
	_ =	sdelay $0x3  }
0x9f: {  	s18 =	ssub.s32 $0x2, s18;
	[tilespmem:$0x10420] =	vst v5  }
0xa0: {  	s30 =	sshrl.u32 s18, $0x1;
	v4 =	vld.idx.msk [tilespmem:v4+s15+$0x0], $0xffff  }
0xa1: {  	s18 =	ssub.s32 s18, s30  }
0xa2: {  	s31 =	smax.u32 s18, $0x1  }
0xa3: {  	s19 =	sshll.u32 s19, $0x7;
	p0 =	sne.s32 s31, $0x1  }
.Ltmp1:
0xa4: {  	s17 =	sadd.s32 s19, s17;
	(pc) =	sbr.rel @!p0 .LBB2_3-.Ltmp1, $4  }
0xa5: {  	s17 =	sadd.s32 $0x400, s17;
	s18 =	simm.s32 $0x10080;
	[tilespmem:$0x10430] =	vst v4  }
0xa6: {  	[hbm4b:s17+s3] =	stream.linear.scatter [tilespmem:s18], [sflag:$0x2], $0x400, $0x38;
	[tilespmem:$0x10480] =	vst v63  }
0xa7: {  	_ =	swait.ge [sflag:s4], $0x400  }
0xa8: {  	s19 =	sadd.s32 $0xFFFFFFFF, s31;
	[sflag:s4] =	ssyncset.done $0x0  }
.LBB2_2:
0xa9: {  	p0 =	sne.s32 s19, $0x1;
	s19 =	sadd.s32 $0xFFFFFFFF, s19;
	[sflag:s4] =	ssyncadd.s32 $0xFFFFFC00  }
0xaa: {  	[tilespmem:s3], [sflag:$0x2] =	stream.linear.gather [hbm4b:s5+s3], $0x8, $0x38;
	[tilespmem:$0x10480] =	vst v63  }
0xab: {  	_ =	swait.ge [sflag:s4], $0x8  }
0xac: {  	[sflag:s4] =	ssyncset.done $0x0  }
0xad: {  	[sflag:s4] =	ssyncadd.s32 $0xFFFFFFF8  }
0xae: {  	v4 =	vld [tilespmem:$0x0];
	_ =	sdelay $0x4  }
0xaf: {  	v5 =	vand.u32 $0xFFFFFF80, v4;
	v4 =	vand.u32 $0x7F, v4  }
0xb0: {  	v12 =	vadd.s32 s2, v5;
	v11 =	vbroadcast v4, $0x0;
	v10 =	vbroadcast v4, $0x1  }
0xb1: {  	v9 =	vbroadcast v4, $0x2;
	v8 =	vbroadcast v4, $0x3;
	(v2sf) =	vpush v12, $0x0  }
0xb2: {  	v7 =	vbroadcast v4, $0x4;
	v6 =	vbroadcast v4, $0x5  }
0xb3: {  	v5 =	vbroadcast v4, $0x6;
	v4 =	vbroadcast v4, $0x7;
	(v2sf) =	vpush v12, $0x1;
	_ =	sdelay $0x1  }
0xb4: {  	(v2sf) =	vpush v12, $0x2;
	_ =	sdelay $0x1  }
0xb5: {  	(v2sf) =	vpush v12, $0x3;
	_ =	sdelay $0x1  }
0xb6: {  	(v2sf) =	vpush v12, $0x4;
	_ =	sdelay $0x1  }
0xb7: {  	(v2sf) =	vpush v12, $0x5;
	_ =	sdelay $0x1  }
0xb8: {  	(v2sf) =	vpush v12, $0x6;
	_ =	sdelay $0x1  }
0xb9: {  	(v2sf) =	vpush v12, $0x7  }
0xba: {  	s20 =	spop (v2sf)  }
0xbb: {  	[tilespmem:s8], [sflag:$0x1] =	stream.strided.gather [hbm4b:s20+s6], $0x2000, s7, s6, $0x38;
	[tilespmem:$0x10480] =	vst v63  }
0xbc: {  	s20 =	spop (v2sf)  }
0xbd: {  	[tilespmem:s9], [sflag:$0x1] =	stream.strided.gather [hbm4b:s20+s6], $0x2000, s7, s6, $0x38;
	[tilespmem:$0x10480] =	vst v63  }
0xbe: {  	s20 =	spop (v2sf)  }
0xbf: {  	[tilespmem:s10], [sflag:$0x1] =	stream.strided.gather [hbm4b:s20+s6], $0x2000, s7, s6, $0x38;
	[tilespmem:$0x10480] =	vst v63  }
0xc0: {  	s20 =	spop (v2sf)  }
0xc1: {  	[tilespmem:s11], [sflag:$0x1] =	stream.strided.gather [hbm4b:s20+s6], $0x2000, s7, s6, $0x38;
	[tilespmem:$0x10480] =	vst v63  }
0xc2: {  	s20 =	spop (v2sf)  }
0xc3: {  	[tilespmem:s12], [sflag:$0x1] =	stream.strided.gather [hbm4b:s20+s6], $0x2000, s7, s6, $0x38;
	[tilespmem:$0x10480] =	vst v63  }
0xc4: {  	s20 =	spop (v2sf)  }
0xc5: {  	[tilespmem:s13], [sflag:$0x1] =	stream.strided.gather [hbm4b:s20+s6], $0x2000, s7, s6, $0x38;
	[tilespmem:$0x10480] =	vst v63  }
0xc6: {  	s20 =	spop (v2sf)  }
0xc7: {  	[tilespmem:s14], [sflag:$0x1] =	stream.strided.gather [hbm4b:s20+s6], $0x2000, s7, s6, $0x38;
	[tilespmem:$0x10480] =	vst v63  }
0xc8: {  	s20 =	spop (v2sf)  }
0xc9: {  	[tilespmem:s15], [sflag:$0x1] =	stream.strided.gather [hbm4b:s20+s6], $0x2000, s7, s6, $0x38;
	[tilespmem:$0x10480] =	vst v63  }
0xca: {  	_ =	swait.ge [sflag:s16], $0x2000  }
0xcb: {  	[sflag:s16] =	ssyncset.done $0x0  }
0xcc: {  	[sflag:s16] =	ssyncadd.s32 $0xFFFFE000  }
0xcd: {  	_ =	swait.ge [sflag:s16], $0x2000  }
0xce: {  	[sflag:s16] =	ssyncset.done $0x0  }
0xcf: {  	[sflag:s16] =	ssyncadd.s32 $0xFFFFE000  }
0xd0: {  	_ =	swait.ge [sflag:s16], $0x2000  }
0xd1: {  	[sflag:s16] =	ssyncset.done $0x0  }
0xd2: {  	[sflag:s16] =	ssyncadd.s32 $0xFFFFE000  }
0xd3: {  	_ =	swait.ge [sflag:s16], $0x2000  }
0xd4: {  	[sflag:s16] =	ssyncset.done $0x0  }
0xd5: {  	[sflag:s16] =	ssyncadd.s32 $0xFFFFE000  }
0xd6: {  	_ =	swait.ge [sflag:s16], $0x2000  }
0xd7: {  	[sflag:s16] =	ssyncset.done $0x0  }
0xd8: {  	[sflag:s16] =	ssyncadd.s32 $0xFFFFE000  }
0xd9: {  	_ =	swait.ge [sflag:s16], $0x2000  }
0xda: {  	[sflag:s16] =	ssyncset.done $0x0  }
0xdb: {  	[sflag:s16] =	ssyncadd.s32 $0xFFFFE000  }
0xdc: {  	_ =	swait.ge [sflag:s16], $0x2000  }
0xdd: {  	v12 =	vor.u32 v0, v11;
	[sflag:s16] =	ssyncset.done $0x0  }
0xde: {  	[sflag:s16] =	ssyncadd.s32 $0xFFFFE000  }
0xdf: {  	_ =	swait.ge [sflag:s16], $0x2000  }
0xe0: {  	[sflag:s16] =	ssyncset.done $0x0  }
0xe1: {  	[sflag:s16] =	ssyncadd.s32 $0xFFFFE000  }
0xe2: {  	v12 =	vld.idx.msk [tilespmem:v12+s8+$0x0], $0xffff;
	_ =	sdelay $0x1  }
0xe3: {  	v13 =	vor.u32 v1, v11;
	_ =	sdelay $0x3  }
0xe4: {  	[tilespmem:$0x10080] =	vst v12  }
0xe5: {  	v12 =	vld.idx.msk [tilespmem:v13+s8+$0x0], $0xffff;
	_ =	sdelay $0x1  }
0xe6: {  	v13 =	vor.u32 v2, v11;
	_ =	sdelay $0x3  }
0xe7: {  	[tilespmem:$0x10090] =	vst v12  }
0xe8: {  	v12 =	vld.idx.msk [tilespmem:v13+s8+$0x0], $0xffff;
	_ =	sdelay $0x1  }
0xe9: {  	v11 =	vor.u32 v3, v11;
	_ =	sdelay $0x3  }
0xea: {  	[tilespmem:$0x100A0] =	vst v12  }
0xeb: {  	v11 =	vld.idx.msk [tilespmem:v11+s8+$0x0], $0xffff;
	_ =	sdelay $0x1  }
0xec: {  	v12 =	vor.u32 v0, v10;
	_ =	sdelay $0x3  }
0xed: {  	[tilespmem:$0x100B0] =	vst v11  }
0xee: {  	v11 =	vld.idx.msk [tilespmem:v12+s9+$0x0], $0xffff;
	_ =	sdelay $0x1  }
0xef: {  	v12 =	vor.u32 v1, v10;
	_ =	sdelay $0x3  }
0xf0: {  	[tilespmem:$0x10100] =	vst v11  }
0xf1: {  	v11 =	vld.idx.msk [tilespmem:v12+s9+$0x0], $0xffff;
	_ =	sdelay $0x1  }
0xf2: {  	v12 =	vor.u32 v2, v10;
	_ =	sdelay $0x3  }
0xf3: {  	[tilespmem:$0x10110] =	vst v11  }
0xf4: {  	v11 =	vld.idx.msk [tilespmem:v12+s9+$0x0], $0xffff;
	_ =	sdelay $0x1  }
0xf5: {  	v10 =	vor.u32 v3, v10;
	_ =	sdelay $0x3  }
0xf6: {  	[tilespmem:$0x10120] =	vst v11  }
0xf7: {  	v10 =	vld.idx.msk [tilespmem:v10+s9+$0x0], $0xffff;
	_ =	sdelay $0x1  }
0xf8: {  	v11 =	vor.u32 v0, v9;
	_ =	sdelay $0x3  }
0xf9: {  	[tilespmem:$0x10130] =	vst v10  }
0xfa: {  	v10 =	vld.idx.msk [tilespmem:v11+s10+$0x0], $0xffff;
	_ =	sdelay $0x1  }
0xfb: {  	v11 =	vor.u32 v1, v9;
	_ =	sdelay $0x3  }
0xfc: {  	[tilespmem:$0x10180] =	vst v10  }
0xfd: {  	v10 =	vld.idx.msk [tilespmem:v11+s10+$0x0], $0xffff;
	_ =	sdelay $0x1  }
0xfe: {  	v11 =	vor.u32 v2, v9;
	_ =	sdelay $0x3  }
0xff: {  	[tilespmem:$0x10190] =	vst v10  }
0x100: {  	v10 =	vld.idx.msk [tilespmem:v11+s10+$0x0], $0xffff;
	_ =	sdelay $0x1  }
0x101: {  	v9 =	vor.u32 v3, v9;
	_ =	sdelay $0x3  }
0x102: {  	[tilespmem:$0x101A0] =	vst v10  }
0x103: {  	v9 =	vld.idx.msk [tilespmem:v9+s10+$0x0], $0xffff;
	_ =	sdelay $0x1  }
0x104: {  	v10 =	vor.u32 v0, v8;
	_ =	sdelay $0x3  }
0x105: {  	[tilespmem:$0x101B0] =	vst v9  }
0x106: {  	v9 =	vld.idx.msk [tilespmem:v10+s11+$0x0], $0xffff;
	_ =	sdelay $0x1  }
0x107: {  	v10 =	vor.u32 v1, v8;
	_ =	sdelay $0x3  }
0x108: {  	[tilespmem:$0x10200] =	vst v9  }
0x109: {  	v9 =	vld.idx.msk [tilespmem:v10+s11+$0x0], $0xffff;
	_ =	sdelay $0x1  }
0x10a: {  	v10 =	vor.u32 v2, v8;
	_ =	sdelay $0x3  }
0x10b: {  	[tilespmem:$0x10210] =	vst v9  }
0x10c: {  	v9 =	vld.idx.msk [tilespmem:v10+s11+$0x0], $0xffff;
	_ =	sdelay $0x1  }
0x10d: {  	v8 =	vor.u32 v3, v8;
	_ =	sdelay $0x3  }
0x10e: {  	[tilespmem:$0x10220] =	vst v9  }
0x10f: {  	v8 =	vld.idx.msk [tilespmem:v8+s11+$0x0], $0xffff;
	_ =	sdelay $0x1  }
0x110: {  	v9 =	vor.u32 v0, v7;
	_ =	sdelay $0x3  }
0x111: {  	[tilespmem:$0x10230] =	vst v8  }
0x112: {  	v8 =	vld.idx.msk [tilespmem:v9+s12+$0x0], $0xffff;
	_ =	sdelay $0x1  }
0x113: {  	v9 =	vor.u32 v1, v7;
	_ =	sdelay $0x3  }
0x114: {  	[tilespmem:$0x10280] =	vst v8  }
0x115: {  	v8 =	vld.idx.msk [tilespmem:v9+s12+$0x0], $0xffff;
	_ =	sdelay $0x1  }
0x116: {  	v9 =	vor.u32 v2, v7;
	_ =	sdelay $0x3  }
0x117: {  	[tilespmem:$0x10290] =	vst v8  }
0x118: {  	v8 =	vld.idx.msk [tilespmem:v9+s12+$0x0], $0xffff;
	_ =	sdelay $0x1  }
0x119: {  	v7 =	vor.u32 v3, v7;
	_ =	sdelay $0x3  }
0x11a: {  	[tilespmem:$0x102A0] =	vst v8  }
0x11b: {  	v7 =	vld.idx.msk [tilespmem:v7+s12+$0x0], $0xffff;
	_ =	sdelay $0x1  }
0x11c: {  	v8 =	vor.u32 v0, v6;
	_ =	sdelay $0x3  }
0x11d: {  	[tilespmem:$0x102B0] =	vst v7  }
0x11e: {  	v7 =	vld.idx.msk [tilespmem:v8+s13+$0x0], $0xffff;
	_ =	sdelay $0x1  }
0x11f: {  	v8 =	vor.u32 v1, v6;
	_ =	sdelay $0x3  }
0x120: {  	[tilespmem:$0x10300] =	vst v7  }
0x121: {  	v7 =	vld.idx.msk [tilespmem:v8+s13+$0x0], $0xffff;
	_ =	sdelay $0x1  }
0x122: {  	v8 =	vor.u32 v2, v6;
	_ =	sdelay $0x3  }
0x123: {  	[tilespmem:$0x10310] =	vst v7  }
0x124: {  	v7 =	vld.idx.msk [tilespmem:v8+s13+$0x0], $0xffff;
	_ =	sdelay $0x1  }
0x125: {  	v6 =	vor.u32 v3, v6;
	_ =	sdelay $0x3  }
0x126: {  	[tilespmem:$0x10320] =	vst v7  }
0x127: {  	v6 =	vld.idx.msk [tilespmem:v6+s13+$0x0], $0xffff;
	_ =	sdelay $0x1  }
0x128: {  	v7 =	vor.u32 v0, v5;
	_ =	sdelay $0x3  }
0x129: {  	[tilespmem:$0x10330] =	vst v6  }
0x12a: {  	v6 =	vld.idx.msk [tilespmem:v7+s14+$0x0], $0xffff;
	_ =	sdelay $0x1  }
0x12b: {  	v7 =	vor.u32 v1, v5;
	_ =	sdelay $0x3  }
0x12c: {  	[tilespmem:$0x10380] =	vst v6  }
0x12d: {  	v6 =	vld.idx.msk [tilespmem:v7+s14+$0x0], $0xffff;
	_ =	sdelay $0x1  }
0x12e: {  	v7 =	vor.u32 v2, v5;
	_ =	sdelay $0x3  }
0x12f: {  	[tilespmem:$0x10390] =	vst v6  }
0x130: {  	v6 =	vld.idx.msk [tilespmem:v7+s14+$0x0], $0xffff;
	_ =	sdelay $0x1  }
0x131: {  	v5 =	vor.u32 v3, v5;
	_ =	sdelay $0x3  }
0x132: {  	[tilespmem:$0x103A0] =	vst v6  }
0x133: {  	v5 =	vld.idx.msk [tilespmem:v5+s14+$0x0], $0xffff;
	_ =	sdelay $0x1  }
0x134: {  	v6 =	vor.u32 v0, v4;
	_ =	sdelay $0x3  }
0x135: {  	[tilespmem:$0x103B0] =	vst v5  }
0x136: {  	v5 =	vld.idx.msk [tilespmem:v6+s15+$0x0], $0xffff;
	_ =	sdelay $0x1  }
0x137: {  	v6 =	vor.u32 v1, v4;
	_ =	sdelay $0x3  }
0x138: {  	[tilespmem:$0x10400] =	vst v5  }
0x139: {  	v5 =	vld.idx.msk [tilespmem:v6+s15+$0x0], $0xffff;
	_ =	sdelay $0x1  }
0x13a: {  	v6 =	vor.u32 v2, v4;
	_ =	sdelay $0x3  }
0x13b: {  	[tilespmem:$0x10410] =	vst v5  }
0x13c: {  	v5 =	vld.idx.msk [tilespmem:v6+s15+$0x0], $0xffff;
	_ =	sdelay $0x1  }
0x13d: {  	v4 =	vor.u32 v3, v4;
	_ =	sdelay $0x3  }
0x13e: {  	[tilespmem:$0x10420] =	vst v5  }
0x13f: {  	v4 =	vld.idx.msk [tilespmem:v4+s15+$0x0], $0xffff;
	_ =	sdelay $0x4  }
.Ltmp2:
0x140: {  	(pc) =	sbr.rel @p0 .LBB2_2-.Ltmp2, $4  }
0x141: {  	[tilespmem:$0x10430] =	vst v4  }
0x142: {  	[hbm4b:s17+s3] =	stream.linear.scatter [tilespmem:s18], [sflag:$0x2], $0x400, $0x38;
	[tilespmem:$0x10480] =	vst v63  }
0x143: {  	_ =	swait.ge [sflag:s4], $0x400  }
0x144: {  	[sflag:s4] =	ssyncset.done $0x0  }
.LBB2_3:
0x145: {  	[sflag:s4] =	ssyncadd.s32 $0xFFFFFC00  }
.LBB2_4:
0x146: {  	_ =	sfence.sel $0x180000  }
0x147: {  	[bflag:$0x0] =	sbarrier.arrive $0xFFFF  }
0x148: {  	p0 =	sne.s32 s1, $0x0;
	_ =	strace $0x90000047  }
0x149: {  	s0 =	sadd.s32 @!p0 $0x100000, s0;
	[bflag:$0x2] =	sbarrier.arrive $0xFFFF  }
0x14a: {  	[sflag:s0] =	ssyncadd.tile.s32 @!p0 $0x1;
	_ =	shalt  }
.Lfunc_end2:
_tile_overlayer_lowered:
.L_overlay_start_2:
0x14b: {  	(tag) =	ssettag $0x2  }
0x14c: {  	s0 =	rddreg [dreg:$0x0];
	s2 =	stileid.u32  }
0x14d: {  	s1 =	rddreg [dreg:$0x1];
	p0 =	sne.s32 s2, $0x0  }
0x14e: {  	s3 =	rddreg [dreg:$0x2];
	[bflag:$0x3] =	sbarrier.arrive $0xFFFF;
	s2 =	simm.s32 @!p0 $0x1C02  }
0x14f: {  	[timem:s3], [sflag:s2] =	dma.local @!p0 [hbm:s0], s1  }
0x150: {  	s0 =	simm.s32 @!p0 $0x2  }
0x151: {  	_ =	swait.ge @!p0 [sflag:s0], s1  }
0x152: {  	s1 =	ssub.s32 @!p0 $0x0, s1;
	[sflag:s0] =	ssyncset.done @!p0 $0x0  }
0x153: {  	[sflag:s0] =	ssyncadd.s32 @!p0 s1  }
0x154: {  	[bflag:$0x3] =	sbarrier.arrive $0xFFFF  }
0x155: {  	_ =	shalt  }

</sc_bundles>
